<compile_context>
chip_gen: v7x
topology: tpu7x:2x2x1
jax: 0.10.2.dev20260603
libtpu: 0.0.44.dev20260713+nightly
codegen_flags: <defaults>
</compile_context>

<pallas_src>
import functools

import jax
import jax.numpy as jnp
from jax import lax
from jax.experimental import pallas as pl
from jax.experimental.pallas import tpu as pltpu
from jax.experimental.pallas import tpu_sc as plsc

_NUM_CODES = 8192
_EMBED_DIM = 32
_TILE = 256
_CHUNK = 2048
_LANES = 128
_PACK = 128 // _EMBED_DIM


def _prep_kernel(e_ref, e2_ref, eb_ref):
    e = e_ref[...]
    ones = jnp.ones((1, _EMBED_DIM), dtype=jnp.float32)
    e2_ref[...] = jax.lax.dot_general(
        ones, e * e,
        dimension_numbers=(((1,), (1,)), ((), ())),
        precision=jax.lax.Precision.HIGHEST,
        preferred_element_type=jnp.float32)
    eb_ref[...] = e.astype(jnp.bfloat16)


def _argmin_kernel(x_ref, eb_ref, e2_ref, idx_ref):
    x = x_ref[...]
    eb = eb_ref[...]

    xx = x * x
    r = xx[:, 0:8]
    for j in range(1, 4):
        r = r + xx[:, 8 * j:8 * j + 8]
    s = r[:, 0:4] + r[:, 4:8]
    s = s[:, 0:2] + s[:, 2:4]
    x2 = s[:, 0:1] + s[:, 1:2]

    xb = x.astype(jnp.bfloat16)
    e2 = e2_ref[...]
    lane = jax.lax.broadcasted_iota(jnp.int32, (_TILE, _LANES), 1)

    acc_v = None
    acc_i = None
    n_blk = _CHUNK // _LANES
    for c in range(_NUM_CODES // _CHUNK):
        mm = jax.lax.dot_general(
            xb, eb[c * _CHUNK:(c + 1) * _CHUNK, :],
            dimension_numbers=(((1,), (1,)), ((), ())),
            preferred_element_type=jnp.float32)
        run_v = None
        run_b = None
        for b in range(n_blk):
            lo = b * _LANES
            e2b = e2[:, c * _CHUNK + lo:c * _CHUNK + lo + _LANES]
            db = (x2 + e2b) - 2.0 * mm[:, lo:lo + _LANES]
            if run_v is None:
                run_v = db
                run_b = jnp.zeros((_TILE, _LANES), jnp.int32)
            else:
                upd = db < run_v
                run_v = jnp.where(upd, db, run_v)
                run_b = jnp.where(upd, b, run_b)
        md = jnp.min(run_v, axis=1, keepdims=True)
        cand = run_b * _LANES + lane
        ic = jnp.min(jnp.where(run_v == md, cand, _NUM_CODES),
                     axis=1, keepdims=True) + c * _CHUNK
        md_b = md.astype(jnp.bfloat16).astype(jnp.float32)
        if acc_v is None:
            acc_v, acc_i = md_b, ic
        else:
            upd = md < acc_v
            acc_v = jnp.where(upd, md_b, acc_v)
            acc_i = jnp.where(upd, ic, acc_i)

    idx_ref[...] = acc_i[None]


def _finish_kernel(x_ref, q128_ref, idx_ref, qo_ref, q_ref, loss_ref):
    i = pl.program_id(0)
    n_steps = pl.num_programs(0)
    x = x_ref[...]
    q128 = q128_ref[...]
    rem = idx_ref[0] & (_PACK - 1)

    q = jnp.where(rem == 0, q128[:, 0:_EMBED_DIM], 0.0)
    for k in range(1, _PACK):
        q = jnp.where(rem == k,
                      q128[:, k * _EMBED_DIM:(k + 1) * _EMBED_DIM], q)

    qo_ref[...] = x + (q - x)
    q_ref[...] = q
    dq = q - x
    part = jnp.sum(dq * dq, axis=(0, 1), keepdims=True)

    @pl.when(i == 0)
    def _():
        loss_ref[...] = jnp.zeros((1, 1), jnp.float32)

    loss_ref[...] += part

    @pl.when(i == n_steps - 1)
    def _():
        loss_ref[...] = loss_ref[...] / (
            jnp.float32(n_steps) * x.shape[0] * x.shape[1])


def _sc_gather(table128, idx128):
    info = plsc.get_sparse_core_info()
    n_workers = info.num_cores * info.num_subcores
    b_per_w = idx128.shape[0] // n_workers
    mesh = plsc.VectorSubcoreMesh(core_axis_name="c", subcore_axis_name="s")

    @functools.partial(
        pl.kernel, mesh=mesh,
        out_type=jax.ShapeDtypeStruct((idx128.shape[0], 128), jnp.float32),
        scratch_types=[
            pltpu.VMEM((b_per_w,), jnp.int32),
            pltpu.VMEM((b_per_w, 128), jnp.float32),
            pltpu.SemaphoreType.DMA,
        ],
    )
    def gather(table_hbm, idx_hbm, out_hbm, idx_v, rows_v, sem):
        wid = lax.axis_index("s") * info.num_cores + lax.axis_index("c")
        base = wid * b_per_w
        pltpu.sync_copy(idx_hbm.at[pl.ds(base, b_per_w)], idx_v)
        pltpu.async_copy(table_hbm.at[idx_v], rows_v, sem).wait()
        pltpu.sync_copy(rows_v, out_hbm.at[pl.ds(base, b_per_w)])

    return gather(table128, idx128)


@jax.jit
def kernel(inputs, embedding):
    n_tok = inputs.shape[0] * inputs.shape[1]
    flat = inputs.reshape(n_tok, _EMBED_DIM)
    grid = n_tok // _TILE

    e2, eb = pl.pallas_call(
        _prep_kernel,
        out_shape=[
            jax.ShapeDtypeStruct((1, _NUM_CODES), jnp.float32),
            jax.ShapeDtypeStruct((_NUM_CODES, _EMBED_DIM), jnp.bfloat16),
        ],
    )(embedding)

    idx3 = pl.pallas_call(
        _argmin_kernel,
        grid=(grid,),
        in_specs=[
            pl.BlockSpec((_TILE, _EMBED_DIM), lambda i: (i, 0)),
            pl.BlockSpec((_NUM_CODES, _EMBED_DIM), lambda i: (0, 0)),
            pl.BlockSpec((1, _NUM_CODES), lambda i: (0, 0)),
        ],
        out_specs=pl.BlockSpec((1, _TILE, 1), lambda i: (i, 0, 0)),
        out_shape=jax.ShapeDtypeStruct((grid, _TILE, 1), jnp.int32),
    )(flat, eb, e2)

    idx128 = idx3.reshape(n_tok) >> 2
    table128 = embedding.reshape(_NUM_CODES // _PACK, 128)
    q128 = _sc_gather(table128, idx128)

    ftile = 1024
    fgrid = n_tok // ftile
    qo, q, loss2 = pl.pallas_call(
        _finish_kernel,
        grid=(fgrid,),
        in_specs=[
            pl.BlockSpec((ftile, _EMBED_DIM), lambda i: (i, 0)),
            pl.BlockSpec((ftile, 128), lambda i: (i, 0)),
            pl.BlockSpec((1, ftile, 1), lambda i: (i, 0, 0)),
        ],
        out_specs=[
            pl.BlockSpec((ftile, _EMBED_DIM), lambda i: (i, 0)),
            pl.BlockSpec((ftile, _EMBED_DIM), lambda i: (i, 0)),
            pl.BlockSpec((1, 1), lambda i: (0, 0)),
        ],
        out_shape=[
            jax.ShapeDtypeStruct((n_tok, _EMBED_DIM), jnp.float32),
            jax.ShapeDtypeStruct((n_tok, _EMBED_DIM), jnp.float32),
            jax.ShapeDtypeStruct((1, 1), jnp.float32),
        ],
    )(flat, q128, idx3.reshape(fgrid, ftile, 1))

    loss = loss2[0, 0]
    return (qo.reshape(inputs.shape), q.reshape(inputs.shape),
            loss, loss, idx3.reshape(inputs.shape[:-1]))

# --- scband reference (transcript-rebuilt; emitter-appended) ---
"""Pipeline reference for scband-vector-quantizer-33139967656627 (READ-ONLY COPY).

The authoritative reference and input builder live on the scoring server;
editing this copy changes nothing except your own understanding.
"""

import jax, jax.numpy as jnp
import numpy as np

NUM_CODES = 8192
EMBED_DIM = 32
COMMITMENT_COST = 0.25


def setup_inputs(seed: int = 0) -> dict:
    key = jax.random.key(seed)
    k_in, k_emb = jax.random.split(key)
    inputs = jax.random.normal(k_in, (8, 1024, EMBED_DIM), dtype=jnp.float32)
    embedding = jax.random.uniform(
        k_emb, (NUM_CODES, EMBED_DIM), dtype=jnp.float32,
        minval=-1.0 / NUM_CODES, maxval=1.0 / NUM_CODES)
    return {"inputs": inputs, "embedding": embedding}


def reference(inputs, embedding):
    flat_input = inputs.reshape(-1, EMBED_DIM)
    distances = (jnp.sum(flat_input ** 2, axis=1, keepdims=True)
                 + jnp.sum(embedding ** 2, axis=1)
                 - 2.0 * jnp.matmul(flat_input, embedding.T))
    encoding_indices = jnp.argmin(distances, axis=1)
    quantized = jnp.take(embedding, encoding_indices, axis=0).reshape(inputs.shape)
    q_latent_loss = jnp.mean((quantized - jax.lax.stop_gradient(inputs)) ** 2)
    e_latent_loss = jnp.mean((jax.lax.stop_gradient(quantized) - inputs) ** 2)
    quantized_out = inputs + jax.lax.stop_gradient(quantized - inputs)
    indices = encoding_indices.reshape(inputs.shape[:-1])
    return (quantized_out, quantized, q_latent_loss, e_latent_loss, indices)

if __name__ == "__main__":
    import jax
    _d = setup_inputs()
    print(jax.jit(kernel)(*tuple(_d.values())))

</pallas_src>

<mosaic_0001>
#map = affine_map<(d0, d1) -> (0, 0)>
#map1 = affine_map<(d0, d1) -> (0)>
module attributes {stable_mosaic.version = 14 : i64} {
  func.func @gather(%arg0: i32, %arg1: i32, %arg2: memref<2048x128xf32, #tpu.memory_space<hbm>>, %arg3: memref<8192xi32, #tpu.memory_space<hbm>>, %arg4: memref<8192x128xf32, #tpu.memory_space<hbm>>, %arg5: memref<256xi32, #tpu.memory_space<vmem>>, %arg6: memref<256x128xf32, #tpu.memory_space<vmem>>, %arg7: memref<!tpu.dma_semaphore, #tpu.memory_space<semaphore_mem>>) attributes {dimension_semantics = [#tpu.dimension_semantics<core_parallel>, #tpu.dimension_semantics<subcore_parallel>], iteration_bounds = array<i64: 2, 16>, scalar_prefetch = 0 : i64, scratch_operands = 3 : i64, tpu.core_type = #tpu.core_type<sc_vector_subcore>, window_params = [{transform_indices = #map}, {transform_indices = #map1}, {transform_indices = #map}]} {
    %mul3A = arith.constant 2 : i32
    %mul3A_0 = arith.muli %arg1, %mul3A : i32
    %add3A = arith.addi %mul3A_0, %arg0 : i32
    %mul3A_1 = arith.constant 256 : i32
    %mul3A_2 = arith.muli %add3A, %mul3A_1 : i32
    "tpu.region"() ({
      %run_scoped3A = tpu.sem_alloc : memref<!tpu.dma_semaphore, #tpu.memory_space<semaphore_mem>>
      %dma_start3A_7 = tpu.memref_slice %arg3[%mul3A_2] : memref<8192xi32, #tpu.memory_space<hbm>> -> memref<256xi32, #tpu.memory_space<hbm>>
      %dma_start3A_8 = tpu.memref_slice %arg3[%mul3A_2] : memref<8192xi32, #tpu.memory_space<hbm>> -> memref<256xi32, #tpu.memory_space<hbm>>
      tpu.enqueue_dma source(%dma_start3A_8 : memref<256xi32, #tpu.memory_space<hbm>>) target(%arg5 : memref<256xi32, #tpu.memory_space<vmem>>) target_semaphore(%run_scoped3A : memref<!tpu.dma_semaphore, #tpu.memory_space<semaphore_mem>>)
      %dma_wait3A_9 = tpu.memref_slice %arg3[%mul3A_2] : memref<8192xi32, #tpu.memory_space<hbm>> -> memref<256xi32, #tpu.memory_space<hbm>>
      %dma_wait3A_10 = tpu.memref_slice %arg3[%mul3A_2] : memref<8192xi32, #tpu.memory_space<hbm>> -> memref<256xi32, #tpu.memory_space<hbm>>
      tpu.wait_dma2 semaphore(%run_scoped3A : memref<!tpu.dma_semaphore, #tpu.memory_space<semaphore_mem>>) src(%dma_wait3A_10 : memref<256xi32, #tpu.memory_space<hbm>>) dst(%arg5 : memref<256xi32, #tpu.memory_space<vmem>>)
      tpu.yield
    }) : () -> ()
    %dma_start3A = arith.constant 0 : i32
    %dma_start3A_3 = arith.constant 0 : i32
    %dma_start3A_4 = tpu.memref_slice %arg2[%dma_start3A, %dma_start3A_3] : memref<2048x128xf32, #tpu.memory_space<hbm>> -> memref<2048x128xf32, #tpu.memory_space<hbm>>
    tpu.enqueue_indirect_dma source(%dma_start3A_4 : memref<2048x128xf32, #tpu.memory_space<hbm>>) target(%arg6 : memref<256x128xf32, #tpu.memory_space<vmem>>) offsets(%arg5 : memref<256xi32, #tpu.memory_space<vmem>>) semaphore(%arg7 : memref<!tpu.dma_semaphore, #tpu.memory_space<semaphore_mem>>)
    %dma_wait3A = arith.constant 0 : i32
    %dma_wait3A_5 = arith.constant 0 : i32
    %dma_wait3A_6 = tpu.memref_slice %arg2[%dma_wait3A, %dma_wait3A_5] : memref<2048x128xf32, #tpu.memory_space<hbm>> -> memref<2048x128xf32, #tpu.memory_space<hbm>>
    tpu.wait_indirect_dma semaphore(%arg7 : memref<!tpu.dma_semaphore, #tpu.memory_space<semaphore_mem>>) src(%dma_wait3A_6 : memref<2048x128xf32, #tpu.memory_space<hbm>>) dst(%arg6 : memref<256x128xf32, #tpu.memory_space<vmem>>)
    "tpu.region"() ({
      %run_scoped3A = tpu.sem_alloc : memref<!tpu.dma_semaphore, #tpu.memory_space<semaphore_mem>>
      %dma_start3A_7 = arith.constant 0 : i32
      %dma_start3A_8 = tpu.memref_slice %arg4[%mul3A_2, %dma_start3A_7] : memref<8192x128xf32, #tpu.memory_space<hbm>> -> memref<256x128xf32, #tpu.memory_space<hbm>>
      %dma_start3A_9 = arith.constant 0 : i32
      %dma_start3A_10 = tpu.memref_slice %arg4[%mul3A_2, %dma_start3A_9] : memref<8192x128xf32, #tpu.memory_space<hbm>> -> memref<256x128xf32, #tpu.memory_space<hbm>>
      tpu.enqueue_dma source(%arg6 : memref<256x128xf32, #tpu.memory_space<vmem>>) target(%dma_start3A_10 : memref<256x128xf32, #tpu.memory_space<hbm>>) target_semaphore(%run_scoped3A : memref<!tpu.dma_semaphore, #tpu.memory_space<semaphore_mem>>)
      %dma_wait3A_11 = arith.constant 0 : i32
      %dma_wait3A_12 = tpu.memref_slice %arg4[%mul3A_2, %dma_wait3A_11] : memref<8192x128xf32, #tpu.memory_space<hbm>> -> memref<256x128xf32, #tpu.memory_space<hbm>>
      %dma_wait3A_13 = arith.constant 0 : i32
      %dma_wait3A_14 = tpu.memref_slice %arg4[%mul3A_2, %dma_wait3A_13] : memref<8192x128xf32, #tpu.memory_space<hbm>> -> memref<256x128xf32, #tpu.memory_space<hbm>>
      tpu.wait_dma2 semaphore(%run_scoped3A : memref<!tpu.dma_semaphore, #tpu.memory_space<semaphore_mem>>) src(%arg6 : memref<256x128xf32, #tpu.memory_space<vmem>>) dst(%dma_wait3A_14 : memref<256x128xf32, #tpu.memory_space<hbm>>)
      tpu.yield
    }) : () -> ()
    return
  }
}

module attributes {stable_mosaic.version = 14 : i64} {
  func.func @_prep_kernel(%arg0: memref<8192x32xf32, #tpu.memory_space<vmem>>, %arg1: memref<1x8192xf32, #tpu.memory_space<vmem>>, %arg2: memref<8192x32xbf16, #tpu.memory_space<vmem>>) attributes {dimension_semantics = [], scalar_prefetch = 0 : i64, scratch_operands = 0 : i64, tpu.core_type = #tpu.core_type<tc>} {
    %get3A = arith.constant 0 : index
    %get3A_0 = arith.constant 0 : index
    %get3A_1 = vector.load %arg0[%get3A, %get3A_0] : memref<8192x32xf32, #tpu.memory_space<vmem>>, vector<8192x32xf32>
    %broadcast_in_dim3A = arith.constant 1.000000e+00 : f32
    %broadcast_in_dim3A_2 = vector.broadcast %broadcast_in_dim3A : f32 to vector<1x32xf32>
    %mul3A = arith.mulf %get3A_1, %get3A_1 : vector<8192x32xf32>
    %dot_general3A = arith.constant dense<0.000000e+00> : vector<1x8192xf32>
    %dot_general3A_3 = tpu.matmul %broadcast_in_dim3A_2, %mul3A, %dot_general3A {dimension_numbers = #tpu.dot_dimension_numbers<[1], [1], [0], [0], [0, 0, 1, 0], [], []>, precision = #tpu.contract_precision<fp32>, transpose_lhs_hint = false} : vector<1x32xf32>, vector<8192x32xf32>, vector<1x8192xf32> -> vector<1x8192xf32>
    %swap3A = arith.constant 0 : index
    %swap3A_4 = arith.constant 0 : index
    %swap3A_5 = vector.load %arg1[%swap3A, %swap3A_4] : memref<1x8192xf32, #tpu.memory_space<vmem>>, vector<1x8192xf32>
    tpu.vector_store %arg1[%swap3A, %swap3A_4], %dot_general3A_3 {strides = array<i32>} : memref<1x8192xf32, #tpu.memory_space<vmem>>, vector<1x8192xf32>,
    %convert_element_type3A = arith.truncf %get3A_1 : vector<8192x32xf32> to vector<8192x32xbf16>
    %swap3A_6 = arith.constant 0 : index
    %swap3A_7 = arith.constant 0 : index
    %swap3A_8 = vector.load %arg2[%swap3A_6, %swap3A_7] : memref<8192x32xbf16, #tpu.memory_space<vmem>>, vector<8192x32xbf16>
    tpu.vector_store %arg2[%swap3A_6, %swap3A_7], %convert_element_type3A {strides = array<i32>} : memref<8192x32xbf16, #tpu.memory_space<vmem>>, vector<8192x32xbf16>,
    return
  }
}

module attributes {stable_mosaic.version = 14 : i64} {
  func.func @_argmin_kernel(%arg0: i32, %arg1: memref<256x32xf32, #tpu.memory_space<vmem>>, %arg2: memref<8192x32xbf16, #tpu.memory_space<vmem>>, %arg3: memref<1x8192xf32, #tpu.memory_space<vmem>>, %arg4: memref<1x256x1xi32, #tpu.memory_space<vmem>>) attributes {dimension_semantics = [#tpu.dimension_semantics<arbitrary>], iteration_bounds = array<i64: 32>, scalar_prefetch = 0 : i64, scratch_operands = 0 : i64, tpu.core_type = #tpu.core_type<tc>, window_params = [{transform_indices = @transform_0, window_bounds = array<i64: 256, 32>}, {pipeline_mode = #tpu.pipeline_mode<synchronous>, transform_indices = @transform_1, window_bounds = array<i64: 8192, 32>}, {pipeline_mode = #tpu.pipeline_mode<synchronous>, transform_indices = @transform_2, window_bounds = array<i64: 1, 8192>}, {transform_indices = @transform_3, window_bounds = array<i64: 1, 256, 1>}]} {
    %get3A = arith.constant 0 : index
    %get3A_0 = arith.constant 0 : index
    %get3A_1 = vector.load %arg1[%get3A, %get3A_0] : memref<256x32xf32, #tpu.memory_space<vmem>>, vector<256x32xf32>
    %get3A_2 = arith.constant 0 : index
    %get3A_3 = arith.constant 0 : index
    %get3A_4 = vector.load %arg2[%get3A_2, %get3A_3] : memref<8192x32xbf16, #tpu.memory_space<vmem>>, vector<8192x32xbf16>
    %mul3A = arith.mulf %get3A_1, %get3A_1 : vector<256x32xf32>
    %slice3A = vector.extract_strided_slice %mul3A {offsets = [0, 0], sizes = [256, 8], strides = [1, 1]} : vector<256x32xf32> to vector<256x8xf32>
    %slice3A_5 = vector.extract_strided_slice %mul3A {offsets = [0, 8], sizes = [256, 8], strides = [1, 1]} : vector<256x32xf32> to vector<256x8xf32>
    %add3A = arith.addf %slice3A, %slice3A_5 : vector<256x8xf32>
    %slice3A_6 = vector.extract_strided_slice %mul3A {offsets = [0, 16], sizes = [256, 8], strides = [1, 1]} : vector<256x32xf32> to vector<256x8xf32>
    %add3A_7 = arith.addf %add3A, %slice3A_6 : vector<256x8xf32>
    %slice3A_8 = vector.extract_strided_slice %mul3A {offsets = [0, 24], sizes = [256, 8], strides = [1, 1]} : vector<256x32xf32> to vector<256x8xf32>
    %add3A_9 = arith.addf %add3A_7, %slice3A_8 : vector<256x8xf32>
    %slice3A_10 = vector.extract_strided_slice %add3A_9 {offsets = [0, 0], sizes = [256, 4], strides = [1, 1]} : vector<256x8xf32> to vector<256x4xf32>
    %slice3A_11 = vector.extract_strided_slice %add3A_9 {offsets = [0, 4], sizes = [256, 4], strides = [1, 1]} : vector<256x8xf32> to vector<256x4xf32>
    %add3A_12 = arith.addf %slice3A_10, %slice3A_11 : vector<256x4xf32>
    %slice3A_13 = vector.extract_strided_slice %add3A_12 {offsets = [0, 0], sizes = [256, 2], strides = [1, 1]} : vector<256x4xf32> to vector<256x2xf32>
    %slice3A_14 = vector.extract_strided_slice %add3A_12 {offsets = [0, 2], sizes = [256, 2], strides = [1, 1]} : vector<256x4xf32> to vector<256x2xf32>
    %add3A_15 = arith.addf %slice3A_13, %slice3A_14 : vector<256x2xf32>
    %slice3A_16 = vector.extract_strided_slice %add3A_15 {offsets = [0, 0], sizes = [256, 1], strides = [1, 1]} : vector<256x2xf32> to vector<256x1xf32>
    %slice3A_17 = vector.extract_strided_slice %add3A_15 {offsets = [0, 1], sizes = [256, 1], strides = [1, 1]} : vector<256x2xf32> to vector<256x1xf32>
    %add3A_18 = arith.addf %slice3A_16, %slice3A_17 : vector<256x1xf32>
    %convert_element_type3A = arith.truncf %get3A_1 : vector<256x32xf32> to vector<256x32xbf16>
    %get3A_19 = arith.constant 0 : index
    %get3A_20 = arith.constant 0 : index
    %get3A_21 = vector.load %arg3[%get3A_19, %get3A_20] : memref<1x8192xf32, #tpu.memory_space<vmem>>, vector<1x8192xf32>
    %iota3A = tpu.iota {dimensions = array<i32: 1>} : vector<256x128xi32>
    %slice3A_22 = vector.extract_strided_slice %get3A_4 {offsets = [0, 0], sizes = [2048, 32], strides = [1, 1]} : vector<8192x32xbf16> to vector<2048x32xbf16>
    %dot_general3A = arith.constant dense<0.000000e+00> : vector<256x2048xf32>
    %dot_general3A_23 = tpu.matmul %convert_element_type3A, %slice3A_22, %dot_general3A {dimension_numbers = #tpu.dot_dimension_numbers<[1], [1], [0], [0], [0, 0, 1, 0], [], []>, transpose_lhs_hint = false} : vector<256x32xbf16>, vector<2048x32xbf16>, vector<256x2048xf32> -> vector<256x2048xf32>
    %slice3A_24 = vector.extract_strided_slice %get3A_21 {offsets = [0, 0], sizes = [1, 128], strides = [1, 1]} : vector<1x8192xf32> to vector<1x128xf32>
    %add3A_25 = vector.broadcast %add3A_18 : vector<256x1xf32> to vector<256x128xf32>
    %add3A_26 = vector.broadcast %slice3A_24 : vector<1x128xf32> to vector<256x128xf32>
    %add3A_27 = arith.addf %add3A_25, %add3A_26 : vector<256x128xf32>
    %slice3A_28 = vector.extract_strided_slice %dot_general3A_23 {offsets = [0, 0], sizes = [256, 128], strides = [1, 1]} : vector<256x2048xf32> to vector<256x128xf32>
    %mul3A_29 = arith.constant 2.000000e+00 : f32
    %mul3A_30 = vector.broadcast %mul3A_29 : f32 to vector<256x128xf32>
    %mul3A_31 = arith.mulf %mul3A_30, %slice3A_28 : vector<256x128xf32>
    %sub3A = arith.subf %add3A_27, %mul3A_31 : vector<256x128xf32>
    %broadcast_in_dim3A = arith.constant 0 : i32
    %broadcast_in_dim3A_32 = vector.broadcast %broadcast_in_dim3A : i32 to vector<256x128xi32>
    %slice3A_33 = vector.extract_strided_slice %get3A_21 {offsets = [0, 128], sizes = [1, 128], strides = [1, 1]} : vector<1x8192xf32> to vector<1x128xf32>
    %add3A_34 = vector.broadcast %add3A_18 : vector<256x1xf32> to vector<256x128xf32>
    %add3A_35 = vector.broadcast %slice3A_33 : vector<1x128xf32> to vector<256x128xf32>
    %add3A_36 = arith.addf %add3A_34, %add3A_35 : vector<256x128xf32>
    %slice3A_37 = vector.extract_strided_slice %dot_general3A_23 {offsets = [0, 128], sizes = [256, 128], strides = [1, 1]} : vector<256x2048xf32> to vector<256x128xf32>
    %mul3A_38 = arith.constant 2.000000e+00 : f32
    %mul3A_39 = vector.broadcast %mul3A_38 : f32 to vector<256x128xf32>
    %mul3A_40 = arith.mulf %mul3A_39, %slice3A_37 : vector<256x128xf32>
    %sub3A_41 = arith.subf %add3A_36, %mul3A_40 : vector<256x128xf32>
    %lt3A = arith.cmpf olt, %sub3A_41, %sub3A : vector<256x128xf32>
    %select_n3A = arith.select %lt3A, %sub3A_41, %sub3A : vector<256x128xi1>, vector<256x128xf32>
    %jit3A = arith.constant 1 : i32
    %broadcast_in_dim3A_42 = vector.broadcast %jit3A : i32 to vector<256x128xi32>
    %select_n3A_43 = arith.select %lt3A, %broadcast_in_dim3A_42, %broadcast_in_dim3A_32 : vector<256x128xi1>, vector<256x128xi32>
    %slice3A_44 = vector.extract_strided_slice %get3A_21 {offsets = [0, 256], sizes = [1, 128], strides = [1, 1]} : vector<1x8192xf32> to vector<1x128xf32>
    %add3A_45 = vector.broadcast %add3A_18 : vector<256x1xf32> to vector<256x128xf32>
    %add3A_46 = vector.broadcast %slice3A_44 : vector<1x128xf32> to vector<256x128xf32>
    %add3A_47 = arith.addf %add3A_45, %add3A_46 : vector<256x128xf32>
    %slice3A_48 = vector.extract_strided_slice %dot_general3A_23 {offsets = [0, 256], sizes = [256, 128], strides = [1, 1]} : vector<256x2048xf32> to vector<256x128xf32>
    %mul3A_49 = arith.constant 2.000000e+00 : f32
    %mul3A_50 = vector.broadcast %mul3A_49 : f32 to vector<256x128xf32>
    %mul3A_51 = arith.mulf %mul3A_50, %slice3A_48 : vector<256x128xf32>
    %sub3A_52 = arith.subf %add3A_47, %mul3A_51 : vector<256x128xf32>
    %lt3A_53 = arith.cmpf olt, %sub3A_52, %select_n3A : vector<256x128xf32>
    %select_n3A_54 = arith.select %lt3A_53, %sub3A_52, %select_n3A : vector<256x128xi1>, vector<256x128xf32>
    %jit3A_55 = arith.constant 2 : i32
    %broadcast_in_dim3A_56 = vector.broadcast %jit3A_55 : i32 to vector<256x128xi32>
    %select_n3A_57 = arith.select %lt3A_53, %broadcast_in_dim3A_56, %select_n3A_43 : vector<256x128xi1>, vector<256x128xi32>
    %slice3A_58 = vector.extract_strided_slice %get3A_21 {offsets = [0, 384], sizes = [1, 128], strides = [1, 1]} : vector<1x8192xf32> to vector<1x128xf32>
    %add3A_59 = vector.broadcast %add3A_18 : vector<256x1xf32> to vector<256x128xf32>
    %add3A_60 = vector.broadcast %slice3A_58 : vector<1x128xf32> to vector<256x128xf32>
    %add3A_61 = arith.addf %add3A_59, %add3A_60 : vector<256x128xf32>
    %slice3A_62 = vector.extract_strided_slice %dot_general3A_23 {offsets = [0, 384], sizes = [256, 128], strides = [1, 1]} : vector<256x2048xf32> to vector<256x128xf32>
    %mul3A_63 = arith.constant 2.000000e+00 : f32
    %mul3A_64 = vector.broadcast %mul3A_63 : f32 to vector<256x128xf32>
    %mul3A_65 = arith.mulf %mul3A_64, %slice3A_62 : vector<256x128xf32>
    %sub3A_66 = arith.subf %add3A_61, %mul3A_65 : vector<256x128xf32>
    %lt3A_67 = arith.cmpf olt, %sub3A_66, %select_n3A_54 : vector<256x128xf32>
    %select_n3A_68 = arith.select %lt3A_67, %sub3A_66, %select_n3A_54 : vector<256x128xi1>, vector<256x128xf32>
    %jit3A_69 = arith.constant 3 : i32
    %broadcast_in_dim3A_70 = vector.broadcast %jit3A_69 : i32 to vector<256x128xi32>
    %select_n3A_71 = arith.select %lt3A_67, %broadcast_in_dim3A_70, %select_n3A_57 : vector<256x128xi1>, vector<256x128xi32>
    %slice3A_72 = vector.extract_strided_slice %get3A_21 {offsets = [0, 512], sizes = [1, 128], strides = [1, 1]} : vector<1x8192xf32> to vector<1x128xf32>
    %add3A_73 = vector.broadcast %add3A_18 : vector<256x1xf32> to vector<256x128xf32>
    %add3A_74 = vector.broadcast %slice3A_72 : vector<1x128xf32> to vector<256x128xf32>
    %add3A_75 = arith.addf %add3A_73, %add3A_74 : vector<256x128xf32>
    %slice3A_76 = vector.extract_strided_slice %dot_general3A_23 {offsets = [0, 512], sizes = [256, 128], strides = [1, 1]} : vector<256x2048xf32> to vector<256x128xf32>
    %mul3A_77 = arith.constant 2.000000e+00 : f32
    %mul3A_78 = vector.broadcast %mul3A_77 : f32 to vector<256x128xf32>
    %mul3A_79 = arith.mulf %mul3A_78, %slice3A_76 : vector<256x128xf32>
    %sub3A_80 = arith.subf %add3A_75, %mul3A_79 : vector<256x128xf32>
    %lt3A_81 = arith.cmpf olt, %sub3A_80, %select_n3A_68 : vector<256x128xf32>
    %select_n3A_82 = arith.select %lt3A_81, %sub3A_80, %select_n3A_68 : vector<256x128xi1>, vector<256x128xf32>
    %jit3A_83 = arith.constant 4 : i32
    %broadcast_in_dim3A_84 = vector.broadcast %jit3A_83 : i32 to vector<256x128xi32>
    %select_n3A_85 = arith.select %lt3A_81, %broadcast_in_dim3A_84, %select_n3A_71 : vector<256x128xi1>, vector<256x128xi32>
    %slice3A_86 = vector.extract_strided_slice %get3A_21 {offsets = [0, 640], sizes = [1, 128], strides = [1, 1]} : vector<1x8192xf32> to vector<1x128xf32>
    %add3A_87 = vector.broadcast %add3A_18 : vector<256x1xf32> to vector<256x128xf32>
    %add3A_88 = vector.broadcast %slice3A_86 : vector<1x128xf32> to vector<256x128xf32>
    %add3A_89 = arith.addf %add3A_87, %add3A_88 : vector<256x128xf32>
    %slice3A_90 = vector.extract_strided_slice %dot_general3A_23 {offsets = [0, 640], sizes = [256, 128], strides = [1, 1]} : vector<256x2048xf32> to vector<256x128xf32>
    %mul3A_91 = arith.constant 2.000000e+00 : f32
    %mul3A_92 = vector.broadcast %mul3A_91 : f32 to vector<256x128xf32>
    %mul3A_93 = arith.mulf %mul3A_92, %slice3A_90 : vector<256x128xf32>
    %sub3A_94 = arith.subf %add3A_89, %mul3A_93 : vector<256x128xf32>
    %lt3A_95 = arith.cmpf olt, %sub3A_94, %select_n3A_82 : vector<256x128xf32>
    %select_n3A_96 = arith.select %lt3A_95, %sub3A_94, %select_n3A_82 : vector<256x128xi1>, vector<256x128xf32>
    %jit3A_97 = arith.constant 5 : i32
    %broadcast_in_dim3A_98 = vector.broadcast %jit3A_97 : i32 to vector<256x128xi32>
    %select_n3A_99 = arith.select %lt3A_95, %broadcast_in_dim3A_98, %select_n3A_85 : vector<256x128xi1>, vector<256x128xi32>
    %slice3A_100 = vector.extract_strided_slice %get3A_21 {offsets = [0, 768], sizes = [1, 128], strides = [1, 1]} : vector<1x8192xf32> to vector<1x128xf32>
    %add3A_101 = vector.broadcast %add3A_18 : vector<256x1xf32> to vector<256x128xf32>
    %add3A_102 = vector.broadcast %slice3A_100 : vector<1x128xf32> to vector<256x128xf32>
    %add3A_103 = arith.addf %add3A_101, %add3A_102 : vector<256x128xf32>
    %slice3A_104 = vector.extract_strided_slice %dot_general3A_23 {offsets = [0, 768], sizes = [256, 128], strides = [1, 1]} : vector<256x2048xf32> to vector<256x128xf32>
    %mul3A_105 = arith.constant 2.000000e+00 : f32
    %mul3A_106 = vector.broadcast %mul3A_105 : f32 to vector<256x128xf32>
    %mul3A_107 = arith.mulf %mul3A_106, %slice3A_104 : vector<256x128xf32>
    %sub3A_108 = arith.subf %add3A_103, %mul3A_107 : vector<256x128xf32>
    %lt3A_109 = arith.cmpf olt, %sub3A_108, %select_n3A_96 : vector<256x128xf32>
    %select_n3A_110 = arith.select %lt3A_109, %sub3A_108, %select_n3A_96 : vector<256x128xi1>, vector<256x128xf32>
    %jit3A_111 = arith.constant 6 : i32
    %broadcast_in_dim3A_112 = vector.broadcast %jit3A_111 : i32 to vector<256x128xi32>
    %select_n3A_113 = arith.select %lt3A_109, %broadcast_in_dim3A_112, %select_n3A_99 : vector<256x128xi1>, vector<256x128xi32>
    %slice3A_114 = vector.extract_strided_slice %get3A_21 {offsets = [0, 896], sizes = [1, 128], strides = [1, 1]} : vector<1x8192xf32> to vector<1x128xf32>
    %add3A_115 = vector.broadcast %add3A_18 : vector<256x1xf32> to vector<256x128xf32>
    %add3A_116 = vector.broadcast %slice3A_114 : vector<1x128xf32> to vector<256x128xf32>
    %add3A_117 = arith.addf %add3A_115, %add3A_116 : vector<256x128xf32>
    %slice3A_118 = vector.extract_strided_slice %dot_general3A_23 {offsets = [0, 896], sizes = [256, 128], strides = [1, 1]} : vector<256x2048xf32> to vector<256x128xf32>
    %mul3A_119 = arith.constant 2.000000e+00 : f32
    %mul3A_120 = vector.broadcast %mul3A_119 : f32 to vector<256x128xf32>
    %mul3A_121 = arith.mulf %mul3A_120, %slice3A_118 : vector<256x128xf32>
    %sub3A_122 = arith.subf %add3A_117, %mul3A_121 : vector<256x128xf32>
    %lt3A_123 = arith.cmpf olt, %sub3A_122, %select_n3A_110 : vector<256x128xf32>
    %select_n3A_124 = arith.select %lt3A_123, %sub3A_122, %select_n3A_110 : vector<256x128xi1>, vector<256x128xf32>
    %jit3A_125 = arith.constant 7 : i32
    %broadcast_in_dim3A_126 = vector.broadcast %jit3A_125 : i32 to vector<256x128xi32>
    %select_n3A_127 = arith.select %lt3A_123, %broadcast_in_dim3A_126, %select_n3A_113 : vector<256x128xi1>, vector<256x128xi32>
    %slice3A_128 = vector.extract_strided_slice %get3A_21 {offsets = [0, 1024], sizes = [1, 128], strides = [1, 1]} : vector<1x8192xf32> to vector<1x128xf32>
    %add3A_129 = vector.broadcast %add3A_18 : vector<256x1xf32> to vector<256x128xf32>
    %add3A_130 = vector.broadcast %slice3A_128 : vector<1x128xf32> to vector<256x128xf32>
    %add3A_131 = arith.addf %add3A_129, %add3A_130 : vector<256x128xf32>
    %slice3A_132 = vector.extract_strided_slice %dot_general3A_23 {offsets = [0, 1024], sizes = [256, 128], strides = [1, 1]} : vector<256x2048xf32> to vector<256x128xf32>
    %mul3A_133 = arith.constant 2.000000e+00 : f32
    %mul3A_134 = vector.broadcast %mul3A_133 : f32 to vector<256x128xf32>
    %mul3A_135 = arith.mulf %mul3A_134, %slice3A_132 : vector<256x128xf32>
    %sub3A_136 = arith.subf %add3A_131, %mul3A_135 : vector<256x128xf32>
    %lt3A_137 = arith.cmpf olt, %sub3A_136, %select_n3A_124 : vector<256x128xf32>
    %select_n3A_138 = arith.select %lt3A_137, %sub3A_136, %select_n3A_124 : vector<256x128xi1>, vector<256x128xf32>
    %jit3A_139 = arith.constant 8 : i32
    %broadcast_in_dim3A_140 = vector.broadcast %jit3A_139 : i32 to vector<256x128xi32>
    %select_n3A_141 = arith.select %lt3A_137, %broadcast_in_dim3A_140, %select_n3A_127 : vector<256x128xi1>, vector<256x128xi32>
    %slice3A_142 = vector.extract_strided_slice %get3A_21 {offsets = [0, 1152], sizes = [1, 128], strides = [1, 1]} : vector<1x8192xf32> to vector<1x128xf32>
    %add3A_143 = vector.broadcast %add3A_18 : vector<256x1xf32> to vector<256x128xf32>
    %add3A_144 = vector.broadcast %slice3A_142 : vector<1x128xf32> to vector<256x128xf32>
    %add3A_145 = arith.addf %add3A_143, %add3A_144 : vector<256x128xf32>
    %slice3A_146 = vector.extract_strided_slice %dot_general3A_23 {offsets = [0, 1152], sizes = [256, 128], strides = [1, 1]} : vector<256x2048xf32> to vector<256x128xf32>
    %mul3A_147 = arith.constant 2.000000e+00 : f32
    %mul3A_148 = vector.broadcast %mul3A_147 : f32 to vector<256x128xf32>
    %mul3A_149 = arith.mulf %mul3A_148, %slice3A_146 : vector<256x128xf32>
    %sub3A_150 = arith.subf %add3A_145, %mul3A_149 : vector<256x128xf32>
    %lt3A_151 = arith.cmpf olt, %sub3A_150, %select_n3A_138 : vector<256x128xf32>
    %select_n3A_152 = arith.select %lt3A_151, %sub3A_150, %select_n3A_138 : vector<256x128xi1>, vector<256x128xf32>
    %jit3A_153 = arith.constant 9 : i32
    %broadcast_in_dim3A_154 = vector.broadcast %jit3A_153 : i32 to vector<256x128xi32>
    %select_n3A_155 = arith.select %lt3A_151, %broadcast_in_dim3A_154, %select_n3A_141 : vector<256x128xi1>, vector<256x128xi32>
    %slice3A_156 = vector.extract_strided_slice %get3A_21 {offsets = [0, 1280], sizes = [1, 128], strides = [1, 1]} : vector<1x8192xf32> to vector<1x128xf32>
    %add3A_157 = vector.broadcast %add3A_18 : vector<256x1xf32> to vector<256x128xf32>
    %add3A_158 = vector.broadcast %slice3A_156 : vector<1x128xf32> to vector<256x128xf32>
    %add3A_159 = arith.addf %add3A_157, %add3A_158 : vector<256x128xf32>
    %slice3A_160 = vector.extract_strided_slice %dot_general3A_23 {offsets = [0, 1280], sizes = [256, 128], strides = [1, 1]} : vector<256x2048xf32> to vector<256x128xf32>
    %mul3A_161 = arith.constant 2.000000e+00 : f32
    %mul3A_162 = vector.broadcast %mul3A_161 : f32 to vector<256x128xf32>
    %mul3A_163 = arith.mulf %mul3A_162, %slice3A_160 : vector<256x128xf32>
    %sub3A_164 = arith.subf %add3A_159, %mul3A_163 : vector<256x128xf32>
    %lt3A_165 = arith.cmpf olt, %sub3A_164, %select_n3A_152 : vector<256x128xf32>
    %select_n3A_166 = arith.select %lt3A_165, %sub3A_164, %select_n3A_152 : vector<256x128xi1>, vector<256x128xf32>
    %jit3A_167 = arith.constant 10 : i32
    %broadcast_in_dim3A_168 = vector.broadcast %jit3A_167 : i32 to vector<256x128xi32>
    %select_n3A_169 = arith.select %lt3A_165, %broadcast_in_dim3A_168, %select_n3A_155 : vector<256x128xi1>, vector<256x128xi32>
    %slice3A_170 = vector.extract_strided_slice %get3A_21 {offsets = [0, 1408], sizes = [1, 128], strides = [1, 1]} : vector<1x8192xf32> to vector<1x128xf32>
    %add3A_171 = vector.broadcast %add3A_18 : vector<256x1xf32> to vector<256x128xf32>
    %add3A_172 = vector.broadcast %slice3A_170 : vector<1x128xf32> to vector<256x128xf32>
    %add3A_173 = arith.addf %add3A_171, %add3A_172 : vector<256x128xf32>
    %slice3A_174 = vector.extract_strided_slice %dot_general3A_23 {offsets = [0, 1408], sizes = [256, 128], strides = [1, 1]} : vector<256x2048xf32> to vector<256x128xf32>
    %mul3A_175 = arith.constant 2.000000e+00 : f32
    %mul3A_176 = vector.broadcast %mul3A_175 : f32 to vector<256x128xf32>
    %mul3A_177 = arith.mulf %mul3A_176, %slice3A_174 : vector<256x128xf32>
    %sub3A_178 = arith.subf %add3A_173, %mul3A_177 : vector<256x128xf32>
    %lt3A_179 = arith.cmpf olt, %sub3A_178, %select_n3A_166 : vector<256x128xf32>
    %select_n3A_180 = arith.select %lt3A_179, %sub3A_178, %select_n3A_166 : vector<256x128xi1>, vector<256x128xf32>
    %jit3A_181 = arith.constant 11 : i32
    %broadcast_in_dim3A_182 = vector.broadcast %jit3A_181 : i32 to vector<256x128xi32>
    %select_n3A_183 = arith.select %lt3A_179, %broadcast_in_dim3A_182, %select_n3A_169 : vector<256x128xi1>, vector<256x128xi32>
    %slice3A_184 = vector.extract_strided_slice %get3A_21 {offsets = [0, 1536], sizes = [1, 128], strides = [1, 1]} : vector<1x8192xf32> to vector<1x128xf32>
    %add3A_185 = vector.broadcast %add3A_18 : vector<256x1xf32> to vector<256x128xf32>
    %add3A_186 = vector.broadcast %slice3A_184 : vector<1x128xf32> to vector<256x128xf32>
    %add3A_187 = arith.addf %add3A_185, %add3A_186 : vector<256x128xf32>
    %slice3A_188 = vector.extract_strided_slice %dot_general3A_23 {offsets = [0, 1536], sizes = [256, 128], strides = [1, 1]} : vector<256x2048xf32> to vector<256x128xf32>
    %mul3A_189 = arith.constant 2.000000e+00 : f32
    %mul3A_190 = vector.broadcast %mul3A_189 : f32 to vector<256x128xf32>
    %mul3A_191 = arith.mulf %mul3A_190, %slice3A_188 : vector<256x128xf32>
    %sub3A_192 = arith.subf %add3A_187, %mul3A_191 : vector<256x128xf32>
    %lt3A_193 = arith.cmpf olt, %sub3A_192, %select_n3A_180 : vector<256x128xf32>
    %select_n3A_194 = arith.select %lt3A_193, %sub3A_192, %select_n3A_180 : vector<256x128xi1>, vector<256x128xf32>
    %jit3A_195 = arith.constant 12 : i32
    %broadcast_in_dim3A_196 = vector.broadcast %jit3A_195 : i32 to vector<256x128xi32>
    %select_n3A_197 = arith.select %lt3A_193, %broadcast_in_dim3A_196, %select_n3A_183 : vector<256x128xi1>, vector<256x128xi32>
    %slice3A_198 = vector.extract_strided_slice %get3A_21 {offsets = [0, 1664], sizes = [1, 128], strides = [1, 1]} : vector<1x8192xf32> to vector<1x128xf32>
    %add3A_199 = vector.broadcast %add3A_18 : vector<256x1xf32> to vector<256x128xf32>
    %add3A_200 = vector.broadcast %slice3A_198 : vector<1x128xf32> to vector<256x128xf32>
    %add3A_201 = arith.addf %add3A_199, %add3A_200 : vector<256x128xf32>
    %slice3A_202 = vector.extract_strided_slice %dot_general3A_23 {offsets = [0, 1664], sizes = [256, 128], strides = [1, 1]} : vector<256x2048xf32> to vector<256x128xf32>
    %mul3A_203 = arith.constant 2.000000e+00 : f32
    %mul3A_204 = vector.broadcast %mul3A_203 : f32 to vector<256x128xf32>
    %mul3A_205 = arith.mulf %mul3A_204, %slice3A_202 : vector<256x128xf32>
    %sub3A_206 = arith.subf %add3A_201, %mul3A_205 : vector<256x128xf32>
    %lt3A_207 = arith.cmpf olt, %sub3A_206, %select_n3A_194 : vector<256x128xf32>
    %select_n3A_208 = arith.select %lt3A_207, %sub3A_206, %select_n3A_194 : vector<256x128xi1>, vector<256x128xf32>
    %jit3A_209 = arith.constant 13 : i32
    %broadcast_in_dim3A_210 = vector.broadcast %jit3A_209 : i32 to vector<256x128xi32>
    %select_n3A_211 = arith.select %lt3A_207, %broadcast_in_dim3A_210, %select_n3A_197 : vector<256x128xi1>, vector<256x128xi32>
    %slice3A_212 = vector.extract_strided_slice %get3A_21 {offsets = [0, 1792], sizes = [1, 128], strides = [1, 1]} : vector<1x8192xf32> to vector<1x128xf32>
    %add3A_213 = vector.broadcast %add3A_18 : vector<256x1xf32> to vector<256x128xf32>
    %add3A_214 = vector.broadcast %slice3A_212 : vector<1x128xf32> to vector<256x128xf32>
    %add3A_215 = arith.addf %add3A_213, %add3A_214 : vector<256x128xf32>
    %slice3A_216 = vector.extract_strided_slice %dot_general3A_23 {offsets = [0, 1792], sizes = [256, 128], strides = [1, 1]} : vector<256x2048xf32> to vector<256x128xf32>
    %mul3A_217 = arith.constant 2.000000e+00 : f32
    %mul3A_218 = vector.broadcast %mul3A_217 : f32 to vector<256x128xf32>
    %mul3A_219 = arith.mulf %mul3A_218, %slice3A_216 : vector<256x128xf32>
    %sub3A_220 = arith.subf %add3A_215, %mul3A_219 : vector<256x128xf32>
    %lt3A_221 = arith.cmpf olt, %sub3A_220, %select_n3A_208 : vector<256x128xf32>
    %select_n3A_222 = arith.select %lt3A_221, %sub3A_220, %select_n3A_208 : vector<256x128xi1>, vector<256x128xf32>
    %jit3A_223 = arith.constant 14 : i32
    %broadcast_in_dim3A_224 = vector.broadcast %jit3A_223 : i32 to vector<256x128xi32>
    %select_n3A_225 = arith.select %lt3A_221, %broadcast_in_dim3A_224, %select_n3A_211 : vector<256x128xi1>, vector<256x128xi32>
    %slice3A_226 = vector.extract_strided_slice %get3A_21 {offsets = [0, 1920], sizes = [1, 128], strides = [1, 1]} : vector<1x8192xf32> to vector<1x128xf32>
    %add3A_227 = vector.broadcast %add3A_18 : vector<256x1xf32> to vector<256x128xf32>
    %add3A_228 = vector.broadcast %slice3A_226 : vector<1x128xf32> to vector<256x128xf32>
    %add3A_229 = arith.addf %add3A_227, %add3A_228 : vector<256x128xf32>
    %slice3A_230 = vector.extract_strided_slice %dot_general3A_23 {offsets = [0, 1920], sizes = [256, 128], strides = [1, 1]} : vector<256x2048xf32> to vector<256x128xf32>
    %mul3A_231 = arith.constant 2.000000e+00 : f32
    %mul3A_232 = vector.broadcast %mul3A_231 : f32 to vector<256x128xf32>
    %mul3A_233 = arith.mulf %mul3A_232, %slice3A_230 : vector<256x128xf32>
    %sub3A_234 = arith.subf %add3A_229, %mul3A_233 : vector<256x128xf32>
    %lt3A_235 = arith.cmpf olt, %sub3A_234, %select_n3A_222 : vector<256x128xf32>
    %select_n3A_236 = arith.select %lt3A_235, %sub3A_234, %select_n3A_222 : vector<256x128xi1>, vector<256x128xf32>
    %jit3A_237 = arith.constant 15 : i32
    %broadcast_in_dim3A_238 = vector.broadcast %jit3A_237 : i32 to vector<256x128xi32>
    %select_n3A_239 = arith.select %lt3A_235, %broadcast_in_dim3A_238, %select_n3A_225 : vector<256x128xi1>, vector<256x128xi32>
    %reduce_min3A = arith.constant dense<0x7F800000> : vector<256xf32>
    %reduce_min3A_240 = vector.multi_reduction <minimumf>, %select_n3A_236, %reduce_min3A [1] : vector<256x128xf32> to vector<256xf32>
    %broadcast_in_dim3A_241 = vector.shape_cast %reduce_min3A_240 : vector<256xf32> to vector<256x1xf32>
    %mul3A_242 = arith.constant 128 : i32
    %mul3A_243 = vector.broadcast %mul3A_242 : i32 to vector<256x128xi32>
    %mul3A_244 = arith.muli %select_n3A_239, %mul3A_243 : vector<256x128xi32>
    %add3A_245 = arith.addi %mul3A_244, %iota3A : vector<256x128xi32>
    %eq3A = vector.broadcast %broadcast_in_dim3A_241 : vector<256x1xf32> to vector<256x128xf32>
    %eq3A_246 = arith.cmpf oeq, %select_n3A_236, %eq3A : vector<256x128xf32>
    %jit3A_247 = arith.constant 8192 : i32
    %broadcast_in_dim3A_248 = vector.broadcast %jit3A_247 : i32 to vector<256x128xi32>
    %select_n3A_249 = arith.select %eq3A_246, %add3A_245, %broadcast_in_dim3A_248 : vector<256x128xi1>, vector<256x128xi32>
    %reduce_min3A_250 = arith.constant dense<2147483647> : vector<256xi32>
    %reduce_min3A_251 = vector.multi_reduction <minsi>, %select_n3A_249, %reduce_min3A_250 [1] : vector<256x128xi32> to vector<256xi32>
    %broadcast_in_dim3A_252 = vector.shape_cast %reduce_min3A_251 : vector<256xi32> to vector<256x1xi32>
    %add3A_253 = arith.constant 0 : i32
    %add3A_254 = vector.broadcast %add3A_253 : i32 to vector<256x1xi32>
    %add3A_255 = arith.addi %broadcast_in_dim3A_252, %add3A_254 : vector<256x1xi32>
    %convert_element_type3A_256 = arith.truncf %broadcast_in_dim3A_241 : vector<256x1xf32> to vector<256x1xbf16>
    %convert_element_type3A_257 = arith.extf %convert_element_type3A_256 : vector<256x1xbf16> to vector<256x1xf32>
    %slice3A_258 = vector.extract_strided_slice %get3A_4 {offsets = [2048, 0], sizes = [2048, 32], strides = [1, 1]} : vector<8192x32xbf16> to vector<2048x32xbf16>
    %dot_general3A_259 = arith.constant dense<0.000000e+00> : vector<256x2048xf32>
    %dot_general3A_260 = tpu.matmul %convert_element_type3A, %slice3A_258, %dot_general3A_259 {dimension_numbers = #tpu.dot_dimension_numbers<[1], [1], [0], [0], [0, 0, 1, 0], [], []>, transpose_lhs_hint = false} : vector<256x32xbf16>, vector<2048x32xbf16>, vector<256x2048xf32> -> vector<256x2048xf32>
    %slice3A_261 = vector.extract_strided_slice %get3A_21 {offsets = [0, 2048], sizes = [1, 128], strides = [1, 1]} : vector<1x8192xf32> to vector<1x128xf32>
    %add3A_262 = vector.broadcast %add3A_18 : vector<256x1xf32> to vector<256x128xf32>
    %add3A_263 = vector.broadcast %slice3A_261 : vector<1x128xf32> to vector<256x128xf32>
    %add3A_264 = arith.addf %add3A_262, %add3A_263 : vector<256x128xf32>
    %slice3A_265 = vector.extract_strided_slice %dot_general3A_260 {offsets = [0, 0], sizes = [256, 128], strides = [1, 1]} : vector<256x2048xf32> to vector<256x128xf32>
    %mul3A_266 = arith.constant 2.000000e+00 : f32
    %mul3A_267 = vector.broadcast %mul3A_266 : f32 to vector<256x128xf32>
    %mul3A_268 = arith.mulf %mul3A_267, %slice3A_265 : vector<256x128xf32>
    %sub3A_269 = arith.subf %add3A_264, %mul3A_268 : vector<256x128xf32>
    %broadcast_in_dim3A_270 = arith.constant 0 : i32
    %broadcast_in_dim3A_271 = vector.broadcast %broadcast_in_dim3A_270 : i32 to vector<256x128xi32>
    %slice3A_272 = vector.extract_strided_slice %get3A_21 {offsets = [0, 2176], sizes = [1, 128], strides = [1, 1]} : vector<1x8192xf32> to vector<1x128xf32>
    %add3A_273 = vector.broadcast %add3A_18 : vector<256x1xf32> to vector<256x128xf32>
    %add3A_274 = vector.broadcast %slice3A_272 : vector<1x128xf32> to vector<256x128xf32>
    %add3A_275 = arith.addf %add3A_273, %add3A_274 : vector<256x128xf32>
    %slice3A_276 = vector.extract_strided_slice %dot_general3A_260 {offsets = [0, 128], sizes = [256, 128], strides = [1, 1]} : vector<256x2048xf32> to vector<256x128xf32>
    %mul3A_277 = arith.constant 2.000000e+00 : f32
    %mul3A_278 = vector.broadcast %mul3A_277 : f32 to vector<256x128xf32>
    %mul3A_279 = arith.mulf %mul3A_278, %slice3A_276 : vector<256x128xf32>
    %sub3A_280 = arith.subf %add3A_275, %mul3A_279 : vector<256x128xf32>
    %lt3A_281 = arith.cmpf olt, %sub3A_280, %sub3A_269 : vector<256x128xf32>
    %select_n3A_282 = arith.select %lt3A_281, %sub3A_280, %sub3A_269 : vector<256x128xi1>, vector<256x128xf32>
    %jit3A_283 = arith.constant 1 : i32
    %broadcast_in_dim3A_284 = vector.broadcast %jit3A_283 : i32 to vector<256x128xi32>
    %select_n3A_285 = arith.select %lt3A_281, %broadcast_in_dim3A_284, %broadcast_in_dim3A_271 : vector<256x128xi1>, vector<256x128xi32>
    %slice3A_286 = vector.extract_strided_slice %get3A_21 {offsets = [0, 2304], sizes = [1, 128], strides = [1, 1]} : vector<1x8192xf32> to vector<1x128xf32>
    %add3A_287 = vector.broadcast %add3A_18 : vector<256x1xf32> to vector<256x128xf32>
    %add3A_288 = vector.broadcast %slice3A_286 : vector<1x128xf32> to vector<256x128xf32>
    %add3A_289 = arith.addf %add3A_287, %add3A_288 : vector<256x128xf32>
    %slice3A_290 = vector.extract_strided_slice %dot_general3A_260 {offsets = [0, 256], sizes = [256, 128], strides = [1, 1]} : vector<256x2048xf32> to vector<256x128xf32>
    %mul3A_291 = arith.constant 2.000000e+00 : f32
    %mul3A_292 = vector.broadcast %mul3A_291 : f32 to vector<256x128xf32>
    %mul3A_293 = arith.mulf %mul3A_292, %slice3A_290 : vector<256x128xf32>
    %sub3A_294 = arith.subf %add3A_289, %mul3A_293 : vector<256x128xf32>
    %lt3A_295 = arith.cmpf olt, %sub3A_294, %select_n3A_282 : vector<256x128xf32>
    %select_n3A_296 = arith.select %lt3A_295, %sub3A_294, %select_n3A_282 : vector<256x128xi1>, vector<256x128xf32>
    %jit3A_297 = arith.constant 2 : i32
    %broadcast_in_dim3A_298 = vector.broadcast %jit3A_297 : i32 to vector<256x128xi32>
    %select_n3A_299 = arith.select %lt3A_295, %broadcast_in_dim3A_298, %select_n3A_285 : vector<256x128xi1>, vector<256x128xi32>
    %slice3A_300 = vector.extract_strided_slice %get3A_21 {offsets = [0, 2432], sizes = [1, 128], strides = [1, 1]} : vector<1x8192xf32> to vector<1x128xf32>
    %add3A_301 = vector.broadcast %add3A_18 : vector<256x1xf32> to vector<256x128xf32>
    %add3A_302 = vector.broadcast %slice3A_300 : vector<1x128xf32> to vector<256x128xf32>
    %add3A_303 = arith.addf %add3A_301, %add3A_302 : vector<256x128xf32>
    %slice3A_304 = vector.extract_strided_slice %dot_general3A_260 {offsets = [0, 384], sizes = [256, 128], strides = [1, 1]} : vector<256x2048xf32> to vector<256x128xf32>
    %mul3A_305 = arith.constant 2.000000e+00 : f32
    %mul3A_306 = vector.broadcast %mul3A_305 : f32 to vector<256x128xf32>
    %mul3A_307 = arith.mulf %mul3A_306, %slice3A_304 : vector<256x128xf32>
    %sub3A_308 = arith.subf %add3A_303, %mul3A_307 : vector<256x128xf32>
    %lt3A_309 = arith.cmpf olt, %sub3A_308, %select_n3A_296 : vector<256x128xf32>
    %select_n3A_310 = arith.select %lt3A_309, %sub3A_308, %select_n3A_296 : vector<256x128xi1>, vector<256x128xf32>
    %jit3A_311 = arith.constant 3 : i32
    %broadcast_in_dim3A_312 = vector.broadcast %jit3A_311 : i32 to vector<256x128xi32>
    %select_n3A_313 = arith.select %lt3A_309, %broadcast_in_dim3A_312, %select_n3A_299 : vector<256x128xi1>, vector<256x128xi32>
    %slice3A_314 = vector.extract_strided_slice %get3A_21 {offsets = [0, 2560], sizes = [1, 128], strides = [1, 1]} : vector<1x8192xf32> to vector<1x128xf32>
    %add3A_315 = vector.broadcast %add3A_18 : vector<256x1xf32> to vector<256x128xf32>
    %add3A_316 = vector.broadcast %slice3A_314 : vector<1x128xf32> to vector<256x128xf32>
    %add3A_317 = arith.addf %add3A_315, %add3A_316 : vector<256x128xf32>
    %slice3A_318 = vector.extract_strided_slice %dot_general3A_260 {offsets = [0, 512], sizes = [256, 128], strides = [1, 1]} : vector<256x2048xf32> to vector<256x128xf32>
    %mul3A_319 = arith.constant 2.000000e+00 : f32
    %mul3A_320 = vector.broadcast %mul3A_319 : f32 to vector<256x128xf32>
    %mul3A_321 = arith.mulf %mul3A_320, %slice3A_318 : vector<256x128xf32>
    %sub3A_322 = arith.subf %add3A_317, %mul3A_321 : vector<256x128xf32>
    %lt3A_323 = arith.cmpf olt, %sub3A_322, %select_n3A_310 : vector<256x128xf32>
    %select_n3A_324 = arith.select %lt3A_323, %sub3A_322, %select_n3A_310 : vector<256x128xi1>, vector<256x128xf32>
    %jit3A_325 = arith.constant 4 : i32
    %broadcast_in_dim3A_326 = vector.broadcast %jit3A_325 : i32 to vector<256x128xi32>
    %select_n3A_327 = arith.select %lt3A_323, %broadcast_in_dim3A_326, %select_n3A_313 : vector<256x128xi1>, vector<256x128xi32>
    %slice3A_328 = vector.extract_strided_slice %get3A_21 {offsets = [0, 2688], sizes = [1, 128], strides = [1, 1]} : vector<1x8192xf32> to vector<1x128xf32>
    %add3A_329 = vector.broadcast %add3A_18 : vector<256x1xf32> to vector<256x128xf32>
    %add3A_330 = vector.broadcast %slice3A_328 : vector<1x128xf32> to vector<256x128xf32>
    %add3A_331 = arith.addf %add3A_329, %add3A_330 : vector<256x128xf32>
    %slice3A_332 = vector.extract_strided_slice %dot_general3A_260 {offsets = [0, 640], sizes = [256, 128], strides = [1, 1]} : vector<256x2048xf32> to vector<256x128xf32>
    %mul3A_333 = arith.constant 2.000000e+00 : f32
    %mul3A_334 = vector.broadcast %mul3A_333 : f32 to vector<256x128xf32>
    %mul3A_335 = arith.mulf %mul3A_334, %slice3A_332 : vector<256x128xf32>
    %sub3A_336 = arith.subf %add3A_331, %mul3A_335 : vector<256x128xf32>
    %lt3A_337 = arith.cmpf olt, %sub3A_336, %select_n3A_324 : vector<256x128xf32>
    %select_n3A_338 = arith.select %lt3A_337, %sub3A_336, %select_n3A_324 : vector<256x128xi1>, vector<256x128xf32>
    %jit3A_339 = arith.constant 5 : i32
    %broadcast_in_dim3A_340 = vector.broadcast %jit3A_339 : i32 to vector<256x128xi32>
    %select_n3A_341 = arith.select %lt3A_337, %broadcast_in_dim3A_340, %select_n3A_327 : vector<256x128xi1>, vector<256x128xi32>
    %slice3A_342 = vector.extract_strided_slice %get3A_21 {offsets = [0, 2816], sizes = [1, 128], strides = [1, 1]} : vector<1x8192xf32> to vector<1x128xf32>
    %add3A_343 = vector.broadcast %add3A_18 : vector<256x1xf32> to vector<256x128xf32>
    %add3A_344 = vector.broadcast %slice3A_342 : vector<1x128xf32> to vector<256x128xf32>
    %add3A_345 = arith.addf %add3A_343, %add3A_344 : vector<256x128xf32>
    %slice3A_346 = vector.extract_strided_slice %dot_general3A_260 {offsets = [0, 768], sizes = [256, 128], strides = [1, 1]} : vector<256x2048xf32> to vector<256x128xf32>
    %mul3A_347 = arith.constant 2.000000e+00 : f32
    %mul3A_348 = vector.broadcast %mul3A_347 : f32 to vector<256x128xf32>
    %mul3A_349 = arith.mulf %mul3A_348, %slice3A_346 : vector<256x128xf32>
    %sub3A_350 = arith.subf %add3A_345, %mul3A_349 : vector<256x128xf32>
    %lt3A_351 = arith.cmpf olt, %sub3A_350, %select_n3A_338 : vector<256x128xf32>
    %select_n3A_352 = arith.select %lt3A_351, %sub3A_350, %select_n3A_338 : vector<256x128xi1>, vector<256x128xf32>
    %jit3A_353 = arith.constant 6 : i32
    %broadcast_in_dim3A_354 = vector.broadcast %jit3A_353 : i32 to vector<256x128xi32>
    %select_n3A_355 = arith.select %lt3A_351, %broadcast_in_dim3A_354, %select_n3A_341 : vector<256x128xi1>, vector<256x128xi32>
    %slice3A_356 = vector.extract_strided_slice %get3A_21 {offsets = [0, 2944], sizes = [1, 128], strides = [1, 1]} : vector<1x8192xf32> to vector<1x128xf32>
    %add3A_357 = vector.broadcast %add3A_18 : vector<256x1xf32> to vector<256x128xf32>
    %add3A_358 = vector.broadcast %slice3A_356 : vector<1x128xf32> to vector<256x128xf32>
    %add3A_359 = arith.addf %add3A_357, %add3A_358 : vector<256x128xf32>
    %slice3A_360 = vector.extract_strided_slice %dot_general3A_260 {offsets = [0, 896], sizes = [256, 128], strides = [1, 1]} : vector<256x2048xf32> to vector<256x128xf32>
    %mul3A_361 = arith.constant 2.000000e+00 : f32
    %mul3A_362 = vector.broadcast %mul3A_361 : f32 to vector<256x128xf32>
    %mul3A_363 = arith.mulf %mul3A_362, %slice3A_360 : vector<256x128xf32>
    %sub3A_364 = arith.subf %add3A_359, %mul3A_363 : vector<256x128xf32>
    %lt3A_365 = arith.cmpf olt, %sub3A_364, %select_n3A_352 : vector<256x128xf32>
    %select_n3A_366 = arith.select %lt3A_365, %sub3A_364, %select_n3A_352 : vector<256x128xi1>, vector<256x128xf32>
    %jit3A_367 = arith.constant 7 : i32
    %broadcast_in_dim3A_368 = vector.broadcast %jit3A_367 : i32 to vector<256x128xi32>
    %select_n3A_369 = arith.select %lt3A_365, %broadcast_in_dim3A_368, %select_n3A_355 : vector<256x128xi1>, vector<256x128xi32>
    %slice3A_370 = vector.extract_strided_slice %get3A_21 {offsets = [0, 3072], sizes = [1, 128], strides = [1, 1]} : vector<1x8192xf32> to vector<1x128xf32>
    %add3A_371 = vector.broadcast %add3A_18 : vector<256x1xf32> to vector<256x128xf32>
    %add3A_372 = vector.broadcast %slice3A_370 : vector<1x128xf32> to vector<256x128xf32>
    %add3A_373 = arith.addf %add3A_371, %add3A_372 : vector<256x128xf32>
    %slice3A_374 = vector.extract_strided_slice %dot_general3A_260 {offsets = [0, 1024], sizes = [256, 128], strides = [1, 1]} : vector<256x2048xf32> to vector<256x128xf32>
    %mul3A_375 = arith.constant 2.000000e+00 : f32
    %mul3A_376 = vector.broadcast %mul3A_375 : f32 to vector<256x128xf32>
    %mul3A_377 = arith.mulf %mul3A_376, %slice3A_374 : vector<256x128xf32>
    %sub3A_378 = arith.subf %add3A_373, %mul3A_377 : vector<256x128xf32>
    %lt3A_379 = arith.cmpf olt, %sub3A_378, %select_n3A_366 : vector<256x128xf32>
    %select_n3A_380 = arith.select %lt3A_379, %sub3A_378, %select_n3A_366 : vector<256x128xi1>, vector<256x128xf32>
    %jit3A_381 = arith.constant 8 : i32
    %broadcast_in_dim3A_382 = vector.broadcast %jit3A_381 : i32 to vector<256x128xi32>
    %select_n3A_383 = arith.select %lt3A_379, %broadcast_in_dim3A_382, %select_n3A_369 : vector<256x128xi1>, vector<256x128xi32>
    %slice3A_384 = vector.extract_strided_slice %get3A_21 {offsets = [0, 3200], sizes = [1, 128], strides = [1, 1]} : vector<1x8192xf32> to vector<1x128xf32>
    %add3A_385 = vector.broadcast %add3A_18 : vector<256x1xf32> to vector<256x128xf32>
    %add3A_386 = vector.broadcast %slice3A_384 : vector<1x128xf32> to vector<256x128xf32>
    %add3A_387 = arith.addf %add3A_385, %add3A_386 : vector<256x128xf32>
    %slice3A_388 = vector.extract_strided_slice %dot_general3A_260 {offsets = [0, 1152], sizes = [256, 128], strides = [1, 1]} : vector<256x2048xf32> to vector<256x128xf32>
    %mul3A_389 = arith.constant 2.000000e+00 : f32
    %mul3A_390 = vector.broadcast %mul3A_389 : f32 to vector<256x128xf32>
    %mul3A_391 = arith.mulf %mul3A_390, %slice3A_388 : vector<256x128xf32>
    %sub3A_392 = arith.subf %add3A_387, %mul3A_391 : vector<256x128xf32>
    %lt3A_393 = arith.cmpf olt, %sub3A_392, %select_n3A_380 : vector<256x128xf32>
    %select_n3A_394 = arith.select %lt3A_393, %sub3A_392, %select_n3A_380 : vector<256x128xi1>, vector<256x128xf32>
    %jit3A_395 = arith.constant 9 : i32
    %broadcast_in_dim3A_396 = vector.broadcast %jit3A_395 : i32 to vector<256x128xi32>
    %select_n3A_397 = arith.select %lt3A_393, %broadcast_in_dim3A_396, %select_n3A_383 : vector<256x128xi1>, vector<256x128xi32>
    %slice3A_398 = vector.extract_strided_slice %get3A_21 {offsets = [0, 3328], sizes = [1, 128], strides = [1, 1]} : vector<1x8192xf32> to vector<1x128xf32>
    %add3A_399 = vector.broadcast %add3A_18 : vector<256x1xf32> to vector<256x128xf32>
    %add3A_400 = vector.broadcast %slice3A_398 : vector<1x128xf32> to vector<256x128xf32>
    %add3A_401 = arith.addf %add3A_399, %add3A_400 : vector<256x128xf32>
    %slice3A_402 = vector.extract_strided_slice %dot_general3A_260 {offsets = [0, 1280], sizes = [256, 128], strides = [1, 1]} : vector<256x2048xf32> to vector<256x128xf32>
    %mul3A_403 = arith.constant 2.000000e+00 : f32
    %mul3A_404 = vector.broadcast %mul3A_403 : f32 to vector<256x128xf32>
    %mul3A_405 = arith.mulf %mul3A_404, %slice3A_402 : vector<256x128xf32>
    %sub3A_406 = arith.subf %add3A_401, %mul3A_405 : vector<256x128xf32>
    %lt3A_407 = arith.cmpf olt, %sub3A_406, %select_n3A_394 : vector<256x128xf32>
    %select_n3A_408 = arith.select %lt3A_407, %sub3A_406, %select_n3A_394 : vector<256x128xi1>, vector<256x128xf32>
    %jit3A_409 = arith.constant 10 : i32
    %broadcast_in_dim3A_410 = vector.broadcast %jit3A_409 : i32 to vector<256x128xi32>
    %select_n3A_411 = arith.select %lt3A_407, %broadcast_in_dim3A_410, %select_n3A_397 : vector<256x128xi1>, vector<256x128xi32>
    %slice3A_412 = vector.extract_strided_slice %get3A_21 {offsets = [0, 3456], sizes = [1, 128], strides = [1, 1]} : vector<1x8192xf32> to vector<1x128xf32>
    %add3A_413 = vector.broadcast %add3A_18 : vector<256x1xf32> to vector<256x128xf32>
    %add3A_414 = vector.broadcast %slice3A_412 : vector<1x128xf32> to vector<256x128xf32>
    %add3A_415 = arith.addf %add3A_413, %add3A_414 : vector<256x128xf32>
    %slice3A_416 = vector.extract_strided_slice %dot_general3A_260 {offsets = [0, 1408], sizes = [256, 128], strides = [1, 1]} : vector<256x2048xf32> to vector<256x128xf32>
    %mul3A_417 = arith.constant 2.000000e+00 : f32
    %mul3A_418 = vector.broadcast %mul3A_417 : f32 to vector<256x128xf32>
    %mul3A_419 = arith.mulf %mul3A_418, %slice3A_416 : vector<256x128xf32>
    %sub3A_420 = arith.subf %add3A_415, %mul3A_419 : vector<256x128xf32>
    %lt3A_421 = arith.cmpf olt, %sub3A_420, %select_n3A_408 : vector<256x128xf32>
    %select_n3A_422 = arith.select %lt3A_421, %sub3A_420, %select_n3A_408 : vector<256x128xi1>, vector<256x128xf32>
    %jit3A_423 = arith.constant 11 : i32
    %broadcast_in_dim3A_424 = vector.broadcast %jit3A_423 : i32 to vector<256x128xi32>
    %select_n3A_425 = arith.select %lt3A_421, %broadcast_in_dim3A_424, %select_n3A_411 : vector<256x128xi1>, vector<256x128xi32>
    %slice3A_426 = vector.extract_strided_slice %get3A_21 {offsets = [0, 3584], sizes = [1, 128], strides = [1, 1]} : vector<1x8192xf32> to vector<1x128xf32>
    %add3A_427 = vector.broadcast %add3A_18 : vector<256x1xf32> to vector<256x128xf32>
    %add3A_428 = vector.broadcast %slice3A_426 : vector<1x128xf32> to vector<256x128xf32>
    %add3A_429 = arith.addf %add3A_427, %add3A_428 : vector<256x128xf32>
    %slice3A_430 = vector.extract_strided_slice %dot_general3A_260 {offsets = [0, 1536], sizes = [256, 128], strides = [1, 1]} : vector<256x2048xf32> to vector<256x128xf32>
    %mul3A_431 = arith.constant 2.000000e+00 : f32
    %mul3A_432 = vector.broadcast %mul3A_431 : f32 to vector<256x128xf32>
    %mul3A_433 = arith.mulf %mul3A_432, %slice3A_430 : vector<256x128xf32>
    %sub3A_434 = arith.subf %add3A_429, %mul3A_433 : vector<256x128xf32>
    %lt3A_435 = arith.cmpf olt, %sub3A_434, %select_n3A_422 : vector<256x128xf32>
    %select_n3A_436 = arith.select %lt3A_435, %sub3A_434, %select_n3A_422 : vector<256x128xi1>, vector<256x128xf32>
    %jit3A_437 = arith.constant 12 : i32
    %broadcast_in_dim3A_438 = vector.broadcast %jit3A_437 : i32 to vector<256x128xi32>
    %select_n3A_439 = arith.select %lt3A_435, %broadcast_in_dim3A_438, %select_n3A_425 : vector<256x128xi1>, vector<256x128xi32>
    %slice3A_440 = vector.extract_strided_slice %get3A_21 {offsets = [0, 3712], sizes = [1, 128], strides = [1, 1]} : vector<1x8192xf32> to vector<1x128xf32>
    %add3A_441 = vector.broadcast %add3A_18 : vector<256x1xf32> to vector<256x128xf32>
    %add3A_442 = vector.broadcast %slice3A_440 : vector<1x128xf32> to vector<256x128xf32>
    %add3A_443 = arith.addf %add3A_441, %add3A_442 : vector<256x128xf32>
    %slice3A_444 = vector.extract_strided_slice %dot_general3A_260 {offsets = [0, 1664], sizes = [256, 128], strides = [1, 1]} : vector<256x2048xf32> to vector<256x128xf32>
    %mul3A_445 = arith.constant 2.000000e+00 : f32
    %mul3A_446 = vector.broadcast %mul3A_445 : f32 to vector<256x128xf32>
    %mul3A_447 = arith.mulf %mul3A_446, %slice3A_444 : vector<256x128xf32>
    %sub3A_448 = arith.subf %add3A_443, %mul3A_447 : vector<256x128xf32>
    %lt3A_449 = arith.cmpf olt, %sub3A_448, %select_n3A_436 : vector<256x128xf32>
    %select_n3A_450 = arith.select %lt3A_449, %sub3A_448, %select_n3A_436 : vector<256x128xi1>, vector<256x128xf32>
    %jit3A_451 = arith.constant 13 : i32
    %broadcast_in_dim3A_452 = vector.broadcast %jit3A_451 : i32 to vector<256x128xi32>
    %select_n3A_453 = arith.select %lt3A_449, %broadcast_in_dim3A_452, %select_n3A_439 : vector<256x128xi1>, vector<256x128xi32>
    %slice3A_454 = vector.extract_strided_slice %get3A_21 {offsets = [0, 3840], sizes = [1, 128], strides = [1, 1]} : vector<1x8192xf32> to vector<1x128xf32>
    %add3A_455 = vector.broadcast %add3A_18 : vector<256x1xf32> to vector<256x128xf32>
    %add3A_456 = vector.broadcast %slice3A_454 : vector<1x128xf32> to vector<256x128xf32>
    %add3A_457 = arith.addf %add3A_455, %add3A_456 : vector<256x128xf32>
    %slice3A_458 = vector.extract_strided_slice %dot_general3A_260 {offsets = [0, 1792], sizes = [256, 128], strides = [1, 1]} : vector<256x2048xf32> to vector<256x128xf32>
    %mul3A_459 = arith.constant 2.000000e+00 : f32
    %mul3A_460 = vector.broadcast %mul3A_459 : f32 to vector<256x128xf32>
    %mul3A_461 = arith.mulf %mul3A_460, %slice3A_458 : vector<256x128xf32>
    %sub3A_462 = arith.subf %add3A_457, %mul3A_461 : vector<256x128xf32>
    %lt3A_463 = arith.cmpf olt, %sub3A_462, %select_n3A_450 : vector<256x128xf32>
    %select_n3A_464 = arith.select %lt3A_463, %sub3A_462, %select_n3A_450 : vector<256x128xi1>, vector<256x128xf32>
    %jit3A_465 = arith.constant 14 : i32
    %broadcast_in_dim3A_466 = vector.broadcast %jit3A_465 : i32 to vector<256x128xi32>
    %select_n3A_467 = arith.select %lt3A_463, %broadcast_in_dim3A_466, %select_n3A_453 : vector<256x128xi1>, vector<256x128xi32>
    %slice3A_468 = vector.extract_strided_slice %get3A_21 {offsets = [0, 3968], sizes = [1, 128], strides = [1, 1]} : vector<1x8192xf32> to vector<1x128xf32>
    %add3A_469 = vector.broadcast %add3A_18 : vector<256x1xf32> to vector<256x128xf32>
    %add3A_470 = vector.broadcast %slice3A_468 : vector<1x128xf32> to vector<256x128xf32>
    %add3A_471 = arith.addf %add3A_469, %add3A_470 : vector<256x128xf32>
    %slice3A_472 = vector.extract_strided_slice %dot_general3A_260 {offsets = [0, 1920], sizes = [256, 128], strides = [1, 1]} : vector<256x2048xf32> to vector<256x128xf32>
    %mul3A_473 = arith.constant 2.000000e+00 : f32
    %mul3A_474 = vector.broadcast %mul3A_473 : f32 to vector<256x128xf32>
    %mul3A_475 = arith.mulf %mul3A_474, %slice3A_472 : vector<256x128xf32>
    %sub3A_476 = arith.subf %add3A_471, %mul3A_475 : vector<256x128xf32>
    %lt3A_477 = arith.cmpf olt, %sub3A_476, %select_n3A_464 : vector<256x128xf32>
    %select_n3A_478 = arith.select %lt3A_477, %sub3A_476, %select_n3A_464 : vector<256x128xi1>, vector<256x128xf32>
    %jit3A_479 = arith.constant 15 : i32
    %broadcast_in_dim3A_480 = vector.broadcast %jit3A_479 : i32 to vector<256x128xi32>
    %select_n3A_481 = arith.select %lt3A_477, %broadcast_in_dim3A_480, %select_n3A_467 : vector<256x128xi1>, vector<256x128xi32>
    %reduce_min3A_482 = arith.constant dense<0x7F800000> : vector<256xf32>
    %reduce_min3A_483 = vector.multi_reduction <minimumf>, %select_n3A_478, %reduce_min3A_482 [1] : vector<256x128xf32> to vector<256xf32>
    %broadcast_in_dim3A_484 = vector.shape_cast %reduce_min3A_483 : vector<256xf32> to vector<256x1xf32>
    %mul3A_485 = arith.constant 128 : i32
    %mul3A_486 = vector.broadcast %mul3A_485 : i32 to vector<256x128xi32>
    %mul3A_487 = arith.muli %select_n3A_481, %mul3A_486 : vector<256x128xi32>
    %add3A_488 = arith.addi %mul3A_487, %iota3A : vector<256x128xi32>
    %eq3A_489 = vector.broadcast %broadcast_in_dim3A_484 : vector<256x1xf32> to vector<256x128xf32>
    %eq3A_490 = arith.cmpf oeq, %select_n3A_478, %eq3A_489 : vector<256x128xf32>
    %jit3A_491 = arith.constant 8192 : i32
    %broadcast_in_dim3A_492 = vector.broadcast %jit3A_491 : i32 to vector<256x128xi32>
    %select_n3A_493 = arith.select %eq3A_490, %add3A_488, %broadcast_in_dim3A_492 : vector<256x128xi1>, vector<256x128xi32>
    %reduce_min3A_494 = arith.constant dense<2147483647> : vector<256xi32>
    %reduce_min3A_495 = vector.multi_reduction <minsi>, %select_n3A_493, %reduce_min3A_494 [1] : vector<256x128xi32> to vector<256xi32>
    %broadcast_in_dim3A_496 = vector.shape_cast %reduce_min3A_495 : vector<256xi32> to vector<256x1xi32>
    %add3A_497 = arith.constant 2048 : i32
    %add3A_498 = vector.broadcast %add3A_497 : i32 to vector<256x1xi32>
    %add3A_499 = arith.addi %broadcast_in_dim3A_496, %add3A_498 : vector<256x1xi32>
    %convert_element_type3A_500 = arith.truncf %broadcast_in_dim3A_484 : vector<256x1xf32> to vector<256x1xbf16>
    %convert_element_type3A_501 = arith.extf %convert_element_type3A_500 : vector<256x1xbf16> to vector<256x1xf32>
    %lt3A_502 = arith.cmpf olt, %broadcast_in_dim3A_484, %convert_element_type3A_257 : vector<256x1xf32>
    %select_n3A_503 = arith.select %lt3A_502, %convert_element_type3A_501, %convert_element_type3A_257 : vector<256x1xi1>, vector<256x1xf32>
    %select_n3A_504 = arith.select %lt3A_502, %add3A_499, %add3A_255 : vector<256x1xi1>, vector<256x1xi32>
    %slice3A_505 = vector.extract_strided_slice %get3A_4 {offsets = [4096, 0], sizes = [2048, 32], strides = [1, 1]} : vector<8192x32xbf16> to vector<2048x32xbf16>
    %dot_general3A_506 = arith.constant dense<0.000000e+00> : vector<256x2048xf32>
    %dot_general3A_507 = tpu.matmul %convert_element_type3A, %slice3A_505, %dot_general3A_506 {dimension_numbers = #tpu.dot_dimension_numbers<[1], [1], [0], [0], [0, 0, 1, 0], [], []>, transpose_lhs_hint = false} : vector<256x32xbf16>, vector<2048x32xbf16>, vector<256x2048xf32> -> vector<256x2048xf32>
    %slice3A_508 = vector.extract_strided_slice %get3A_21 {offsets = [0, 4096], sizes = [1, 128], strides = [1, 1]} : vector<1x8192xf32> to vector<1x128xf32>
    %add3A_509 = vector.broadcast %add3A_18 : vector<256x1xf32> to vector<256x128xf32>
    %add3A_510 = vector.broadcast %slice3A_508 : vector<1x128xf32> to vector<256x128xf32>
    %add3A_511 = arith.addf %add3A_509, %add3A_510 : vector<256x128xf32>
    %slice3A_512 = vector.extract_strided_slice %dot_general3A_507 {offsets = [0, 0], sizes = [256, 128], strides = [1, 1]} : vector<256x2048xf32> to vector<256x128xf32>
    %mul3A_513 = arith.constant 2.000000e+00 : f32
    %mul3A_514 = vector.broadcast %mul3A_513 : f32 to vector<256x128xf32>
    %mul3A_515 = arith.mulf %mul3A_514, %slice3A_512 : vector<256x128xf32>
    %sub3A_516 = arith.subf %add3A_511, %mul3A_515 : vector<256x128xf32>
    %broadcast_in_dim3A_517 = arith.constant 0 : i32
    %broadcast_in_dim3A_518 = vector.broadcast %broadcast_in_dim3A_517 : i32 to vector<256x128xi32>
    %slice3A_519 = vector.extract_strided_slice %get3A_21 {offsets = [0, 4224], sizes = [1, 128], strides = [1, 1]} : vector<1x8192xf32> to vector<1x128xf32>
    %add3A_520 = vector.broadcast %add3A_18 : vector<256x1xf32> to vector<256x128xf32>
    %add3A_521 = vector.broadcast %slice3A_519 : vector<1x128xf32> to vector<256x128xf32>
    %add3A_522 = arith.addf %add3A_520, %add3A_521 : vector<256x128xf32>
    %slice3A_523 = vector.extract_strided_slice %dot_general3A_507 {offsets = [0, 128], sizes = [256, 128], strides = [1, 1]} : vector<256x2048xf32> to vector<256x128xf32>
    %mul3A_524 = arith.constant 2.000000e+00 : f32
    %mul3A_525 = vector.broadcast %mul3A_524 : f32 to vector<256x128xf32>
    %mul3A_526 = arith.mulf %mul3A_525, %slice3A_523 : vector<256x128xf32>
    %sub3A_527 = arith.subf %add3A_522, %mul3A_526 : vector<256x128xf32>
    %lt3A_528 = arith.cmpf olt, %sub3A_527, %sub3A_516 : vector<256x128xf32>
    %select_n3A_529 = arith.select %lt3A_528, %sub3A_527, %sub3A_516 : vector<256x128xi1>, vector<256x128xf32>
    %jit3A_530 = arith.constant 1 : i32
    %broadcast_in_dim3A_531 = vector.broadcast %jit3A_530 : i32 to vector<256x128xi32>
    %select_n3A_532 = arith.select %lt3A_528, %broadcast_in_dim3A_531, %broadcast_in_dim3A_518 : vector<256x128xi1>, vector<256x128xi32>
    %slice3A_533 = vector.extract_strided_slice %get3A_21 {offsets = [0, 4352], sizes = [1, 128], strides = [1, 1]} : vector<1x8192xf32> to vector<1x128xf32>
    %add3A_534 = vector.broadcast %add3A_18 : vector<256x1xf32> to vector<256x128xf32>
    %add3A_535 = vector.broadcast %slice3A_533 : vector<1x128xf32> to vector<256x128xf32>
    %add3A_536 = arith.addf %add3A_534, %add3A_535 : vector<256x128xf32>
    %slice3A_537 = vector.extract_strided_slice %dot_general3A_507 {offsets = [0, 256], sizes = [256, 128], strides = [1, 1]} : vector<256x2048xf32> to vector<256x128xf32>
    %mul3A_538 = arith.constant 2.000000e+00 : f32
    %mul3A_539 = vector.broadcast %mul3A_538 : f32 to vector<256x128xf32>
    %mul3A_540 = arith.mulf %mul3A_539, %slice3A_537 : vector<256x128xf32>
    %sub3A_541 = arith.subf %add3A_536, %mul3A_540 : vector<256x128xf32>
    %lt3A_542 = arith.cmpf olt, %sub3A_541, %select_n3A_529 : vector<256x128xf32>
    %select_n3A_543 = arith.select %lt3A_542, %sub3A_541, %select_n3A_529 : vector<256x128xi1>, vector<256x128xf32>
    %jit3A_544 = arith.constant 2 : i32
    %broadcast_in_dim3A_545 = vector.broadcast %jit3A_544 : i32 to vector<256x128xi32>
    %select_n3A_546 = arith.select %lt3A_542, %broadcast_in_dim3A_545, %select_n3A_532 : vector<256x128xi1>, vector<256x128xi32>
    %slice3A_547 = vector.extract_strided_slice %get3A_21 {offsets = [0, 4480], sizes = [1, 128], strides = [1, 1]} : vector<1x8192xf32> to vector<1x128xf32>
    %add3A_548 = vector.broadcast %add3A_18 : vector<256x1xf32> to vector<256x128xf32>
    %add3A_549 = vector.broadcast %slice3A_547 : vector<1x128xf32> to vector<256x128xf32>
    %add3A_550 = arith.addf %add3A_548, %add3A_549 : vector<256x128xf32>
    %slice3A_551 = vector.extract_strided_slice %dot_general3A_507 {offsets = [0, 384], sizes = [256, 128], strides = [1, 1]} : vector<256x2048xf32> to vector<256x128xf32>
    %mul3A_552 = arith.constant 2.000000e+00 : f32
    %mul3A_553 = vector.broadcast %mul3A_552 : f32 to vector<256x128xf32>
    %mul3A_554 = arith.mulf %mul3A_553, %slice3A_551 : vector<256x128xf32>
    %sub3A_555 = arith.subf %add3A_550, %mul3A_554 : vector<256x128xf32>
    %lt3A_556 = arith.cmpf olt, %sub3A_555, %select_n3A_543 : vector<256x128xf32>
    %select_n3A_557 = arith.select %lt3A_556, %sub3A_555, %select_n3A_543 : vector<256x128xi1>, vector<256x128xf32>
    %jit3A_558 = arith.constant 3 : i32
    %broadcast_in_dim3A_559 = vector.broadcast %jit3A_558 : i32 to vector<256x128xi32>
    %select_n3A_560 = arith.select %lt3A_556, %broadcast_in_dim3A_559, %select_n3A_546 : vector<256x128xi1>, vector<256x128xi32>
    %slice3A_561 = vector.extract_strided_slice %get3A_21 {offsets = [0, 4608], sizes = [1, 128], strides = [1, 1]} : vector<1x8192xf32> to vector<1x128xf32>
    %add3A_562 = vector.broadcast %add3A_18 : vector<256x1xf32> to vector<256x128xf32>
    %add3A_563 = vector.broadcast %slice3A_561 : vector<1x128xf32> to vector<256x128xf32>
    %add3A_564 = arith.addf %add3A_562, %add3A_563 : vector<256x128xf32>
    %slice3A_565 = vector.extract_strided_slice %dot_general3A_507 {offsets = [0, 512], sizes = [256, 128], strides = [1, 1]} : vector<256x2048xf32> to vector<256x128xf32>
    %mul3A_566 = arith.constant 2.000000e+00 : f32
    %mul3A_567 = vector.broadcast %mul3A_566 : f32 to vector<256x128xf32>
    %mul3A_568 = arith.mulf %mul3A_567, %slice3A_565 : vector<256x128xf32>
    %sub3A_569 = arith.subf %add3A_564, %mul3A_568 : vector<256x128xf32>
    %lt3A_570 = arith.cmpf olt, %sub3A_569, %select_n3A_557 : vector<256x128xf32>
    %select_n3A_571 = arith.select %lt3A_570, %sub3A_569, %select_n3A_557 : vector<256x128xi1>, vector<256x128xf32>
    %jit3A_572 = arith.constant 4 : i32
    %broadcast_in_dim3A_573 = vector.broadcast %jit3A_572 : i32 to vector<256x128xi32>
    %select_n3A_574 = arith.select %lt3A_570, %broadcast_in_dim3A_573, %select_n3A_560 : vector<256x128xi1>, vector<256x128xi32>
    %slice3A_575 = vector.extract_strided_slice %get3A_21 {offsets = [0, 4736], sizes = [1, 128], strides = [1, 1]} : vector<1x8192xf32> to vector<1x128xf32>
    %add3A_576 = vector.broadcast %add3A_18 : vector<256x1xf32> to vector<256x128xf32>
    %add3A_577 = vector.broadcast %slice3A_575 : vector<1x128xf32> to vector<256x128xf32>
    %add3A_578 = arith.addf %add3A_576, %add3A_577 : vector<256x128xf32>
    %slice3A_579 = vector.extract_strided_slice %dot_general3A_507 {offsets = [0, 640], sizes = [256, 128], strides = [1, 1]} : vector<256x2048xf32> to vector<256x128xf32>
    %mul3A_580 = arith.constant 2.000000e+00 : f32
    %mul3A_581 = vector.broadcast %mul3A_580 : f32 to vector<256x128xf32>
    %mul3A_582 = arith.mulf %mul3A_581, %slice3A_579 : vector<256x128xf32>
    %sub3A_583 = arith.subf %add3A_578, %mul3A_582 : vector<256x128xf32>
    %lt3A_584 = arith.cmpf olt, %sub3A_583, %select_n3A_571 : vector<256x128xf32>
    %select_n3A_585 = arith.select %lt3A_584, %sub3A_583, %select_n3A_571 : vector<256x128xi1>, vector<256x128xf32>
    %jit3A_586 = arith.constant 5 : i32
    %broadcast_in_dim3A_587 = vector.broadcast %jit3A_586 : i32 to vector<256x128xi32>
    %select_n3A_588 = arith.select %lt3A_584, %broadcast_in_dim3A_587, %select_n3A_574 : vector<256x128xi1>, vector<256x128xi32>
    %slice3A_589 = vector.extract_strided_slice %get3A_21 {offsets = [0, 4864], sizes = [1, 128], strides = [1, 1]} : vector<1x8192xf32> to vector<1x128xf32>
    %add3A_590 = vector.broadcast %add3A_18 : vector<256x1xf32> to vector<256x128xf32>
    %add3A_591 = vector.broadcast %slice3A_589 : vector<1x128xf32> to vector<256x128xf32>
    %add3A_592 = arith.addf %add3A_590, %add3A_591 : vector<256x128xf32>
    %slice3A_593 = vector.extract_strided_slice %dot_general3A_507 {offsets = [0, 768], sizes = [256, 128], strides = [1, 1]} : vector<256x2048xf32> to vector<256x128xf32>
    %mul3A_594 = arith.constant 2.000000e+00 : f32
    %mul3A_595 = vector.broadcast %mul3A_594 : f32 to vector<256x128xf32>
    %mul3A_596 = arith.mulf %mul3A_595, %slice3A_593 : vector<256x128xf32>
    %sub3A_597 = arith.subf %add3A_592, %mul3A_596 : vector<256x128xf32>
    %lt3A_598 = arith.cmpf olt, %sub3A_597, %select_n3A_585 : vector<256x128xf32>
    %select_n3A_599 = arith.select %lt3A_598, %sub3A_597, %select_n3A_585 : vector<256x128xi1>, vector<256x128xf32>
    %jit3A_600 = arith.constant 6 : i32
    %broadcast_in_dim3A_601 = vector.broadcast %jit3A_600 : i32 to vector<256x128xi32>
    %select_n3A_602 = arith.select %lt3A_598, %broadcast_in_dim3A_601, %select_n3A_588 : vector<256x128xi1>, vector<256x128xi32>
    %slice3A_603 = vector.extract_strided_slice %get3A_21 {offsets = [0, 4992], sizes = [1, 128], strides = [1, 1]} : vector<1x8192xf32> to vector<1x128xf32>
    %add3A_604 = vector.broadcast %add3A_18 : vector<256x1xf32> to vector<256x128xf32>
    %add3A_605 = vector.broadcast %slice3A_603 : vector<1x128xf32> to vector<256x128xf32>
    %add3A_606 = arith.addf %add3A_604, %add3A_605 : vector<256x128xf32>
    %slice3A_607 = vector.extract_strided_slice %dot_general3A_507 {offsets = [0, 896], sizes = [256, 128], strides = [1, 1]} : vector<256x2048xf32> to vector<256x128xf32>
    %mul3A_608 = arith.constant 2.000000e+00 : f32
    %mul3A_609 = vector.broadcast %mul3A_608 : f32 to vector<256x128xf32>
    %mul3A_610 = arith.mulf %mul3A_609, %slice3A_607 : vector<256x128xf32>
    %sub3A_611 = arith.subf %add3A_606, %mul3A_610 : vector<256x128xf32>
    %lt3A_612 = arith.cmpf olt, %sub3A_611, %select_n3A_599 : vector<256x128xf32>
    %select_n3A_613 = arith.select %lt3A_612, %sub3A_611, %select_n3A_599 : vector<256x128xi1>, vector<256x128xf32>
    %jit3A_614 = arith.constant 7 : i32
    %broadcast_in_dim3A_615 = vector.broadcast %jit3A_614 : i32 to vector<256x128xi32>
    %select_n3A_616 = arith.select %lt3A_612, %broadcast_in_dim3A_615, %select_n3A_602 : vector<256x128xi1>, vector<256x128xi32>
    %slice3A_617 = vector.extract_strided_slice %get3A_21 {offsets = [0, 5120], sizes = [1, 128], strides = [1, 1]} : vector<1x8192xf32> to vector<1x128xf32>
    %add3A_618 = vector.broadcast %add3A_18 : vector<256x1xf32> to vector<256x128xf32>
    %add3A_619 = vector.broadcast %slice3A_617 : vector<1x128xf32> to vector<256x128xf32>
    %add3A_620 = arith.addf %add3A_618, %add3A_619 : vector<256x128xf32>
    %slice3A_621 = vector.extract_strided_slice %dot_general3A_507 {offsets = [0, 1024], sizes = [256, 128], strides = [1, 1]} : vector<256x2048xf32> to vector<256x128xf32>
    %mul3A_622 = arith.constant 2.000000e+00 : f32
    %mul3A_623 = vector.broadcast %mul3A_622 : f32 to vector<256x128xf32>
    %mul3A_624 = arith.mulf %mul3A_623, %slice3A_621 : vector<256x128xf32>
    %sub3A_625 = arith.subf %add3A_620, %mul3A_624 : vector<256x128xf32>
    %lt3A_626 = arith.cmpf olt, %sub3A_625, %select_n3A_613 : vector<256x128xf32>
    %select_n3A_627 = arith.select %lt3A_626, %sub3A_625, %select_n3A_613 : vector<256x128xi1>, vector<256x128xf32>
    %jit3A_628 = arith.constant 8 : i32
    %broadcast_in_dim3A_629 = vector.broadcast %jit3A_628 : i32 to vector<256x128xi32>
    %select_n3A_630 = arith.select %lt3A_626, %broadcast_in_dim3A_629, %select_n3A_616 : vector<256x128xi1>, vector<256x128xi32>
    %slice3A_631 = vector.extract_strided_slice %get3A_21 {offsets = [0, 5248], sizes = [1, 128], strides = [1, 1]} : vector<1x8192xf32> to vector<1x128xf32>
    %add3A_632 = vector.broadcast %add3A_18 : vector<256x1xf32> to vector<256x128xf32>
    %add3A_633 = vector.broadcast %slice3A_631 : vector<1x128xf32> to vector<256x128xf32>
    %add3A_634 = arith.addf %add3A_632, %add3A_633 : vector<256x128xf32>
    %slice3A_635 = vector.extract_strided_slice %dot_general3A_507 {offsets = [0, 1152], sizes = [256, 128], strides = [1, 1]} : vector<256x2048xf32> to vector<256x128xf32>
    %mul3A_636 = arith.constant 2.000000e+00 : f32
    %mul3A_637 = vector.broadcast %mul3A_636 : f32 to vector<256x128xf32>
    %mul3A_638 = arith.mulf %mul3A_637, %slice3A_635 : vector<256x128xf32>
    %sub3A_639 = arith.subf %add3A_634, %mul3A_638 : vector<256x128xf32>
    %lt3A_640 = arith.cmpf olt, %sub3A_639, %select_n3A_627 : vector<256x128xf32>
    %select_n3A_641 = arith.select %lt3A_640, %sub3A_639, %select_n3A_627 : vector<256x128xi1>, vector<256x128xf32>
    %jit3A_642 = arith.constant 9 : i32
    %broadcast_in_dim3A_643 = vector.broadcast %jit3A_642 : i32 to vector<256x128xi32>
    %select_n3A_644 = arith.select %lt3A_640, %broadcast_in_dim3A_643, %select_n3A_630 : vector<256x128xi1>, vector<256x128xi32>
    %slice3A_645 = vector.extract_strided_slice %get3A_21 {offsets = [0, 5376], sizes = [1, 128], strides = [1, 1]} : vector<1x8192xf32> to vector<1x128xf32>
    %add3A_646 = vector.broadcast %add3A_18 : vector<256x1xf32> to vector<256x128xf32>
    %add3A_647 = vector.broadcast %slice3A_645 : vector<1x128xf32> to vector<256x128xf32>
    %add3A_648 = arith.addf %add3A_646, %add3A_647 : vector<256x128xf32>
    %slice3A_649 = vector.extract_strided_slice %dot_general3A_507 {offsets = [0, 1280], sizes = [256, 128], strides = [1, 1]} : vector<256x2048xf32> to vector<256x128xf32>
    %mul3A_650 = arith.constant 2.000000e+00 : f32
    %mul3A_651 = vector.broadcast %mul3A_650 : f32 to vector<256x128xf32>
    %mul3A_652 = arith.mulf %mul3A_651, %slice3A_649 : vector<256x128xf32>
    %sub3A_653 = arith.subf %add3A_648, %mul3A_652 : vector<256x128xf32>
    %lt3A_654 = arith.cmpf olt, %sub3A_653, %select_n3A_641 : vector<256x128xf32>
    %select_n3A_655 = arith.select %lt3A_654, %sub3A_653, %select_n3A_641 : vector<256x128xi1>, vector<256x128xf32>
    %jit3A_656 = arith.constant 10 : i32
    %broadcast_in_dim3A_657 = vector.broadcast %jit3A_656 : i32 to vector<256x128xi32>
    %select_n3A_658 = arith.select %lt3A_654, %broadcast_in_dim3A_657, %select_n3A_644 : vector<256x128xi1>, vector<256x128xi32>
    %slice3A_659 = vector.extract_strided_slice %get3A_21 {offsets = [0, 5504], sizes = [1, 128], strides = [1, 1]} : vector<1x8192xf32> to vector<1x128xf32>
    %add3A_660 = vector.broadcast %add3A_18 : vector<256x1xf32> to vector<256x128xf32>
    %add3A_661 = vector.broadcast %slice3A_659 : vector<1x128xf32> to vector<256x128xf32>
    %add3A_662 = arith.addf %add3A_660, %add3A_661 : vector<256x128xf32>
    %slice3A_663 = vector.extract_strided_slice %dot_general3A_507 {offsets = [0, 1408], sizes = [256, 128], strides = [1, 1]} : vector<256x2048xf32> to vector<256x128xf32>
    %mul3A_664 = arith.constant 2.000000e+00 : f32
    %mul3A_665 = vector.broadcast %mul3A_664 : f32 to vector<256x128xf32>
    %mul3A_666 = arith.mulf %mul3A_665, %slice3A_663 : vector<256x128xf32>
    %sub3A_667 = arith.subf %add3A_662, %mul3A_666 : vector<256x128xf32>
    %lt3A_668 = arith.cmpf olt, %sub3A_667, %select_n3A_655 : vector<256x128xf32>
    %select_n3A_669 = arith.select %lt3A_668, %sub3A_667, %select_n3A_655 : vector<256x128xi1>, vector<256x128xf32>
    %jit3A_670 = arith.constant 11 : i32
    %broadcast_in_dim3A_671 = vector.broadcast %jit3A_670 : i32 to vector<256x128xi32>
    %select_n3A_672 = arith.select %lt3A_668, %broadcast_in_dim3A_671, %select_n3A_658 : vector<256x128xi1>, vector<256x128xi32>
    %slice3A_673 = vector.extract_strided_slice %get3A_21 {offsets = [0, 5632], sizes = [1, 128], strides = [1, 1]} : vector<1x8192xf32> to vector<1x128xf32>
    %add3A_674 = vector.broadcast %add3A_18 : vector<256x1xf32> to vector<256x128xf32>
    %add3A_675 = vector.broadcast %slice3A_673 : vector<1x128xf32> to vector<256x128xf32>
    %add3A_676 = arith.addf %add3A_674, %add3A_675 : vector<256x128xf32>
    %slice3A_677 = vector.extract_strided_slice %dot_general3A_507 {offsets = [0, 1536], sizes = [256, 128], strides = [1, 1]} : vector<256x2048xf32> to vector<256x128xf32>
    %mul3A_678 = arith.constant 2.000000e+00 : f32
    %mul3A_679 = vector.broadcast %mul3A_678 : f32 to vector<256x128xf32>
    %mul3A_680 = arith.mulf %mul3A_679, %slice3A_677 : vector<256x128xf32>
    %sub3A_681 = arith.subf %add3A_676, %mul3A_680 : vector<256x128xf32>
    %lt3A_682 = arith.cmpf olt, %sub3A_681, %select_n3A_669 : vector<256x128xf32>
    %select_n3A_683 = arith.select %lt3A_682, %sub3A_681, %select_n3A_669 : vector<256x128xi1>, vector<256x128xf32>
    %jit3A_684 = arith.constant 12 : i32
    %broadcast_in_dim3A_685 = vector.broadcast %jit3A_684 : i32 to vector<256x128xi32>
    %select_n3A_686 = arith.select %lt3A_682, %broadcast_in_dim3A_685, %select_n3A_672 : vector<256x128xi1>, vector<256x128xi32>
    %slice3A_687 = vector.extract_strided_slice %get3A_21 {offsets = [0, 5760], sizes = [1, 128], strides = [1, 1]} : vector<1x8192xf32> to vector<1x128xf32>
    %add3A_688 = vector.broadcast %add3A_18 : vector<256x1xf32> to vector<256x128xf32>
    %add3A_689 = vector.broadcast %slice3A_687 : vector<1x128xf32> to vector<256x128xf32>
    %add3A_690 = arith.addf %add3A_688, %add3A_689 : vector<256x128xf32>
    %slice3A_691 = vector.extract_strided_slice %dot_general3A_507 {offsets = [0, 1664], sizes = [256, 128], strides = [1, 1]} : vector<256x2048xf32> to vector<256x128xf32>
    %mul3A_692 = arith.constant 2.000000e+00 : f32
    %mul3A_693 = vector.broadcast %mul3A_692 : f32 to vector<256x128xf32>
    %mul3A_694 = arith.mulf %mul3A_693, %slice3A_691 : vector<256x128xf32>
    %sub3A_695 = arith.subf %add3A_690, %mul3A_694 : vector<256x128xf32>
    %lt3A_696 = arith.cmpf olt, %sub3A_695, %select_n3A_683 : vector<256x128xf32>
    %select_n3A_697 = arith.select %lt3A_696, %sub3A_695, %select_n3A_683 : vector<256x128xi1>, vector<256x128xf32>
    %jit3A_698 = arith.constant 13 : i32
    %broadcast_in_dim3A_699 = vector.broadcast %jit3A_698 : i32 to vector<256x128xi32>
    %select_n3A_700 = arith.select %lt3A_696, %broadcast_in_dim3A_699, %select_n3A_686 : vector<256x128xi1>, vector<256x128xi32>
    %slice3A_701 = vector.extract_strided_slice %get3A_21 {offsets = [0, 5888], sizes = [1, 128], strides = [1, 1]} : vector<1x8192xf32> to vector<1x128xf32>
    %add3A_702 = vector.broadcast %add3A_18 : vector<256x1xf32> to vector<256x128xf32>
    %add3A_703 = vector.broadcast %slice3A_701 : vector<1x128xf32> to vector<256x128xf32>
    %add3A_704 = arith.addf %add3A_702, %add3A_703 : vector<256x128xf32>
    %slice3A_705 = vector.extract_strided_slice %dot_general3A_507 {offsets = [0, 1792], sizes = [256, 128], strides = [1, 1]} : vector<256x2048xf32> to vector<256x128xf32>
    %mul3A_706 = arith.constant 2.000000e+00 : f32
    %mul3A_707 = vector.broadcast %mul3A_706 : f32 to vector<256x128xf32>
    %mul3A_708 = arith.mulf %mul3A_707, %slice3A_705 : vector<256x128xf32>
    %sub3A_709 = arith.subf %add3A_704, %mul3A_708 : vector<256x128xf32>
    %lt3A_710 = arith.cmpf olt, %sub3A_709, %select_n3A_697 : vector<256x128xf32>
    %select_n3A_711 = arith.select %lt3A_710, %sub3A_709, %select_n3A_697 : vector<256x128xi1>, vector<256x128xf32>
    %jit3A_712 = arith.constant 14 : i32
    %broadcast_in_dim3A_713 = vector.broadcast %jit3A_712 : i32 to vector<256x128xi32>
    %select_n3A_714 = arith.select %lt3A_710, %broadcast_in_dim3A_713, %select_n3A_700 : vector<256x128xi1>, vector<256x128xi32>
    %slice3A_715 = vector.extract_strided_slice %get3A_21 {offsets = [0, 6016], sizes = [1, 128], strides = [1, 1]} : vector<1x8192xf32> to vector<1x128xf32>
    %add3A_716 = vector.broadcast %add3A_18 : vector<256x1xf32> to vector<256x128xf32>
    %add3A_717 = vector.broadcast %slice3A_715 : vector<1x128xf32> to vector<256x128xf32>
    %add3A_718 = arith.addf %add3A_716, %add3A_717 : vector<256x128xf32>
    %slice3A_719 = vector.extract_strided_slice %dot_general3A_507 {offsets = [0, 1920], sizes = [256, 128], strides = [1, 1]} : vector<256x2048xf32> to vector<256x128xf32>
    %mul3A_720 = arith.constant 2.000000e+00 : f32
    %mul3A_721 = vector.broadcast %mul3A_720 : f32 to vector<256x128xf32>
    %mul3A_722 = arith.mulf %mul3A_721, %slice3A_719 : vector<256x128xf32>
    %sub3A_723 = arith.subf %add3A_718, %mul3A_722 : vector<256x128xf32>
    %lt3A_724 = arith.cmpf olt, %sub3A_723, %select_n3A_711 : vector<256x128xf32>
    %select_n3A_725 = arith.select %lt3A_724, %sub3A_723, %select_n3A_711 : vector<256x128xi1>, vector<256x128xf32>
    %jit3A_726 = arith.constant 15 : i32
    %broadcast_in_dim3A_727 = vector.broadcast %jit3A_726 : i32 to vector<256x128xi32>
    %select_n3A_728 = arith.select %lt3A_724, %broadcast_in_dim3A_727, %select_n3A_714 : vector<256x128xi1>, vector<256x128xi32>
    %reduce_min3A_729 = arith.constant dense<0x7F800000> : vector<256xf32>
    %reduce_min3A_730 = vector.multi_reduction <minimumf>, %select_n3A_725, %reduce_min3A_729 [1] : vector<256x128xf32> to vector<256xf32>
    %broadcast_in_dim3A_731 = vector.shape_cast %reduce_min3A_730 : vector<256xf32> to vector<256x1xf32>
    %mul3A_732 = arith.constant 128 : i32
    %mul3A_733 = vector.broadcast %mul3A_732 : i32 to vector<256x128xi32>
    %mul3A_734 = arith.muli %select_n3A_728, %mul3A_733 : vector<256x128xi32>
    %add3A_735 = arith.addi %mul3A_734, %iota3A : vector<256x128xi32>
    %eq3A_736 = vector.broadcast %broadcast_in_dim3A_731 : vector<256x1xf32> to vector<256x128xf32>
    %eq3A_737 = arith.cmpf oeq, %select_n3A_725, %eq3A_736 : vector<256x128xf32>
    %jit3A_738 = arith.constant 8192 : i32
    %broadcast_in_dim3A_739 = vector.broadcast %jit3A_738 : i32 to vector<256x128xi32>
    %select_n3A_740 = arith.select %eq3A_737, %add3A_735, %broadcast_in_dim3A_739 : vector<256x128xi1>, vector<256x128xi32>
    %reduce_min3A_741 = arith.constant dense<2147483647> : vector<256xi32>
    %reduce_min3A_742 = vector.multi_reduction <minsi>, %select_n3A_740, %reduce_min3A_741 [1] : vector<256x128xi32> to vector<256xi32>
    %broadcast_in_dim3A_743 = vector.shape_cast %reduce_min3A_742 : vector<256xi32> to vector<256x1xi32>
    %add3A_744 = arith.constant 4096 : i32
    %add3A_745 = vector.broadcast %add3A_744 : i32 to vector<256x1xi32>
    %add3A_746 = arith.addi %broadcast_in_dim3A_743, %add3A_745 : vector<256x1xi32>
    %convert_element_type3A_747 = arith.truncf %broadcast_in_dim3A_731 : vector<256x1xf32> to vector<256x1xbf16>
    %convert_element_type3A_748 = arith.extf %convert_element_type3A_747 : vector<256x1xbf16> to vector<256x1xf32>
    %lt3A_749 = arith.cmpf olt, %broadcast_in_dim3A_731, %select_n3A_503 : vector<256x1xf32>
    %select_n3A_750 = arith.select %lt3A_749, %convert_element_type3A_748, %select_n3A_503 : vector<256x1xi1>, vector<256x1xf32>
    %select_n3A_751 = arith.select %lt3A_749, %add3A_746, %select_n3A_504 : vector<256x1xi1>, vector<256x1xi32>
    %slice3A_752 = vector.extract_strided_slice %get3A_4 {offsets = [6144, 0], sizes = [2048, 32], strides = [1, 1]} : vector<8192x32xbf16> to vector<2048x32xbf16>
    %dot_general3A_753 = arith.constant dense<0.000000e+00> : vector<256x2048xf32>
    %dot_general3A_754 = tpu.matmul %convert_element_type3A, %slice3A_752, %dot_general3A_753 {dimension_numbers = #tpu.dot_dimension_numbers<[1], [1], [0], [0], [0, 0, 1, 0], [], []>, transpose_lhs_hint = false} : vector<256x32xbf16>, vector<2048x32xbf16>, vector<256x2048xf32> -> vector<256x2048xf32>
    %slice3A_755 = vector.extract_strided_slice %get3A_21 {offsets = [0, 6144], sizes = [1, 128], strides = [1, 1]} : vector<1x8192xf32> to vector<1x128xf32>
    %add3A_756 = vector.broadcast %add3A_18 : vector<256x1xf32> to vector<256x128xf32>
    %add3A_757 = vector.broadcast %slice3A_755 : vector<1x128xf32> to vector<256x128xf32>
    %add3A_758 = arith.addf %add3A_756, %add3A_757 : vector<256x128xf32>
    %slice3A_759 = vector.extract_strided_slice %dot_general3A_754 {offsets = [0, 0], sizes = [256, 128], strides = [1, 1]} : vector<256x2048xf32> to vector<256x128xf32>
    %mul3A_760 = arith.constant 2.000000e+00 : f32
    %mul3A_761 = vector.broadcast %mul3A_760 : f32 to vector<256x128xf32>
    %mul3A_762 = arith.mulf %mul3A_761, %slice3A_759 : vector<256x128xf32>
    %sub3A_763 = arith.subf %add3A_758, %mul3A_762 : vector<256x128xf32>
    %broadcast_in_dim3A_764 = arith.constant 0 : i32
    %broadcast_in_dim3A_765 = vector.broadcast %broadcast_in_dim3A_764 : i32 to vector<256x128xi32>
    %slice3A_766 = vector.extract_strided_slice %get3A_21 {offsets = [0, 6272], sizes = [1, 128], strides = [1, 1]} : vector<1x8192xf32> to vector<1x128xf32>
    %add3A_767 = vector.broadcast %add3A_18 : vector<256x1xf32> to vector<256x128xf32>
    %add3A_768 = vector.broadcast %slice3A_766 : vector<1x128xf32> to vector<256x128xf32>
    %add3A_769 = arith.addf %add3A_767, %add3A_768 : vector<256x128xf32>
    %slice3A_770 = vector.extract_strided_slice %dot_general3A_754 {offsets = [0, 128], sizes = [256, 128], strides = [1, 1]} : vector<256x2048xf32> to vector<256x128xf32>
    %mul3A_771 = arith.constant 2.000000e+00 : f32
    %mul3A_772 = vector.broadcast %mul3A_771 : f32 to vector<256x128xf32>
    %mul3A_773 = arith.mulf %mul3A_772, %slice3A_770 : vector<256x128xf32>
    %sub3A_774 = arith.subf %add3A_769, %mul3A_773 : vector<256x128xf32>
    %lt3A_775 = arith.cmpf olt, %sub3A_774, %sub3A_763 : vector<256x128xf32>
    %select_n3A_776 = arith.select %lt3A_775, %sub3A_774, %sub3A_763 : vector<256x128xi1>, vector<256x128xf32>
    %jit3A_777 = arith.constant 1 : i32
    %broadcast_in_dim3A_778 = vector.broadcast %jit3A_777 : i32 to vector<256x128xi32>
    %select_n3A_779 = arith.select %lt3A_775, %broadcast_in_dim3A_778, %broadcast_in_dim3A_765 : vector<256x128xi1>, vector<256x128xi32>
    %slice3A_780 = vector.extract_strided_slice %get3A_21 {offsets = [0, 6400], sizes = [1, 128], strides = [1, 1]} : vector<1x8192xf32> to vector<1x128xf32>
    %add3A_781 = vector.broadcast %add3A_18 : vector<256x1xf32> to vector<256x128xf32>
    %add3A_782 = vector.broadcast %slice3A_780 : vector<1x128xf32> to vector<256x128xf32>
    %add3A_783 = arith.addf %add3A_781, %add3A_782 : vector<256x128xf32>
    %slice3A_784 = vector.extract_strided_slice %dot_general3A_754 {offsets = [0, 256], sizes = [256, 128], strides = [1, 1]} : vector<256x2048xf32> to vector<256x128xf32>
    %mul3A_785 = arith.constant 2.000000e+00 : f32
    %mul3A_786 = vector.broadcast %mul3A_785 : f32 to vector<256x128xf32>
    %mul3A_787 = arith.mulf %mul3A_786, %slice3A_784 : vector<256x128xf32>
    %sub3A_788 = arith.subf %add3A_783, %mul3A_787 : vector<256x128xf32>
    %lt3A_789 = arith.cmpf olt, %sub3A_788, %select_n3A_776 : vector<256x128xf32>
    %select_n3A_790 = arith.select %lt3A_789, %sub3A_788, %select_n3A_776 : vector<256x128xi1>, vector<256x128xf32>
    %jit3A_791 = arith.constant 2 : i32
    %broadcast_in_dim3A_792 = vector.broadcast %jit3A_791 : i32 to vector<256x128xi32>
    %select_n3A_793 = arith.select %lt3A_789, %broadcast_in_dim3A_792, %select_n3A_779 : vector<256x128xi1>, vector<256x128xi32>
    %slice3A_794 = vector.extract_strided_slice %get3A_21 {offsets = [0, 6528], sizes = [1, 128], strides = [1, 1]} : vector<1x8192xf32> to vector<1x128xf32>
    %add3A_795 = vector.broadcast %add3A_18 : vector<256x1xf32> to vector<256x128xf32>
    %add3A_796 = vector.broadcast %slice3A_794 : vector<1x128xf32> to vector<256x128xf32>
    %add3A_797 = arith.addf %add3A_795, %add3A_796 : vector<256x128xf32>
    %slice3A_798 = vector.extract_strided_slice %dot_general3A_754 {offsets = [0, 384], sizes = [256, 128], strides = [1, 1]} : vector<256x2048xf32> to vector<256x128xf32>
    %mul3A_799 = arith.constant 2.000000e+00 : f32
    %mul3A_800 = vector.broadcast %mul3A_799 : f32 to vector<256x128xf32>
    %mul3A_801 = arith.mulf %mul3A_800, %slice3A_798 : vector<256x128xf32>
    %sub3A_802 = arith.subf %add3A_797, %mul3A_801 : vector<256x128xf32>
    %lt3A_803 = arith.cmpf olt, %sub3A_802, %select_n3A_790 : vector<256x128xf32>
    %select_n3A_804 = arith.select %lt3A_803, %sub3A_802, %select_n3A_790 : vector<256x128xi1>, vector<256x128xf32>
    %jit3A_805 = arith.constant 3 : i32
    %broadcast_in_dim3A_806 = vector.broadcast %jit3A_805 : i32 to vector<256x128xi32>
    %select_n3A_807 = arith.select %lt3A_803, %broadcast_in_dim3A_806, %select_n3A_793 : vector<256x128xi1>, vector<256x128xi32>
    %slice3A_808 = vector.extract_strided_slice %get3A_21 {offsets = [0, 6656], sizes = [1, 128], strides = [1, 1]} : vector<1x8192xf32> to vector<1x128xf32>
    %add3A_809 = vector.broadcast %add3A_18 : vector<256x1xf32> to vector<256x128xf32>
    %add3A_810 = vector.broadcast %slice3A_808 : vector<1x128xf32> to vector<256x128xf32>
    %add3A_811 = arith.addf %add3A_809, %add3A_810 : vector<256x128xf32>
    %slice3A_812 = vector.extract_strided_slice %dot_general3A_754 {offsets = [0, 512], sizes = [256, 128], strides = [1, 1]} : vector<256x2048xf32> to vector<256x128xf32>
    %mul3A_813 = arith.constant 2.000000e+00 : f32
    %mul3A_814 = vector.broadcast %mul3A_813 : f32 to vector<256x128xf32>
    %mul3A_815 = arith.mulf %mul3A_814, %slice3A_812 : vector<256x128xf32>
    %sub3A_816 = arith.subf %add3A_811, %mul3A_815 : vector<256x128xf32>
    %lt3A_817 = arith.cmpf olt, %sub3A_816, %select_n3A_804 : vector<256x128xf32>
    %select_n3A_818 = arith.select %lt3A_817, %sub3A_816, %select_n3A_804 : vector<256x128xi1>, vector<256x128xf32>
    %jit3A_819 = arith.constant 4 : i32
    %broadcast_in_dim3A_820 = vector.broadcast %jit3A_819 : i32 to vector<256x128xi32>
    %select_n3A_821 = arith.select %lt3A_817, %broadcast_in_dim3A_820, %select_n3A_807 : vector<256x128xi1>, vector<256x128xi32>
    %slice3A_822 = vector.extract_strided_slice %get3A_21 {offsets = [0, 6784], sizes = [1, 128], strides = [1, 1]} : vector<1x8192xf32> to vector<1x128xf32>
    %add3A_823 = vector.broadcast %add3A_18 : vector<256x1xf32> to vector<256x128xf32>
    %add3A_824 = vector.broadcast %slice3A_822 : vector<1x128xf32> to vector<256x128xf32>
    %add3A_825 = arith.addf %add3A_823, %add3A_824 : vector<256x128xf32>
    %slice3A_826 = vector.extract_strided_slice %dot_general3A_754 {offsets = [0, 640], sizes = [256, 128], strides = [1, 1]} : vector<256x2048xf32> to vector<256x128xf32>
    %mul3A_827 = arith.constant 2.000000e+00 : f32
    %mul3A_828 = vector.broadcast %mul3A_827 : f32 to vector<256x128xf32>
    %mul3A_829 = arith.mulf %mul3A_828, %slice3A_826 : vector<256x128xf32>
    %sub3A_830 = arith.subf %add3A_825, %mul3A_829 : vector<256x128xf32>
    %lt3A_831 = arith.cmpf olt, %sub3A_830, %select_n3A_818 : vector<256x128xf32>
    %select_n3A_832 = arith.select %lt3A_831, %sub3A_830, %select_n3A_818 : vector<256x128xi1>, vector<256x128xf32>
    %jit3A_833 = arith.constant 5 : i32
    %broadcast_in_dim3A_834 = vector.broadcast %jit3A_833 : i32 to vector<256x128xi32>
    %select_n3A_835 = arith.select %lt3A_831, %broadcast_in_dim3A_834, %select_n3A_821 : vector<256x128xi1>, vector<256x128xi32>
    %slice3A_836 = vector.extract_strided_slice %get3A_21 {offsets = [0, 6912], sizes = [1, 128], strides = [1, 1]} : vector<1x8192xf32> to vector<1x128xf32>
    %add3A_837 = vector.broadcast %add3A_18 : vector<256x1xf32> to vector<256x128xf32>
    %add3A_838 = vector.broadcast %slice3A_836 : vector<1x128xf32> to vector<256x128xf32>
    %add3A_839 = arith.addf %add3A_837, %add3A_838 : vector<256x128xf32>
    %slice3A_840 = vector.extract_strided_slice %dot_general3A_754 {offsets = [0, 768], sizes = [256, 128], strides = [1, 1]} : vector<256x2048xf32> to vector<256x128xf32>
    %mul3A_841 = arith.constant 2.000000e+00 : f32
    %mul3A_842 = vector.broadcast %mul3A_841 : f32 to vector<256x128xf32>
    %mul3A_843 = arith.mulf %mul3A_842, %slice3A_840 : vector<256x128xf32>
    %sub3A_844 = arith.subf %add3A_839, %mul3A_843 : vector<256x128xf32>
    %lt3A_845 = arith.cmpf olt, %sub3A_844, %select_n3A_832 : vector<256x128xf32>
    %select_n3A_846 = arith.select %lt3A_845, %sub3A_844, %select_n3A_832 : vector<256x128xi1>, vector<256x128xf32>
    %jit3A_847 = arith.constant 6 : i32
    %broadcast_in_dim3A_848 = vector.broadcast %jit3A_847 : i32 to vector<256x128xi32>
    %select_n3A_849 = arith.select %lt3A_845, %broadcast_in_dim3A_848, %select_n3A_835 : vector<256x128xi1>, vector<256x128xi32>
    %slice3A_850 = vector.extract_strided_slice %get3A_21 {offsets = [0, 7040], sizes = [1, 128], strides = [1, 1]} : vector<1x8192xf32> to vector<1x128xf32>
    %add3A_851 = vector.broadcast %add3A_18 : vector<256x1xf32> to vector<256x128xf32>
    %add3A_852 = vector.broadcast %slice3A_850 : vector<1x128xf32> to vector<256x128xf32>
    %add3A_853 = arith.addf %add3A_851, %add3A_852 : vector<256x128xf32>
    %slice3A_854 = vector.extract_strided_slice %dot_general3A_754 {offsets = [0, 896], sizes = [256, 128], strides = [1, 1]} : vector<256x2048xf32> to vector<256x128xf32>
    %mul3A_855 = arith.constant 2.000000e+00 : f32
    %mul3A_856 = vector.broadcast %mul3A_855 : f32 to vector<256x128xf32>
    %mul3A_857 = arith.mulf %mul3A_856, %slice3A_854 : vector<256x128xf32>
    %sub3A_858 = arith.subf %add3A_853, %mul3A_857 : vector<256x128xf32>
    %lt3A_859 = arith.cmpf olt, %sub3A_858, %select_n3A_846 : vector<256x128xf32>
    %select_n3A_860 = arith.select %lt3A_859, %sub3A_858, %select_n3A_846 : vector<256x128xi1>, vector<256x128xf32>
    %jit3A_861 = arith.constant 7 : i32
    %broadcast_in_dim3A_862 = vector.broadcast %jit3A_861 : i32 to vector<256x128xi32>
    %select_n3A_863 = arith.select %lt3A_859, %broadcast_in_dim3A_862, %select_n3A_849 : vector<256x128xi1>, vector<256x128xi32>
    %slice3A_864 = vector.extract_strided_slice %get3A_21 {offsets = [0, 7168], sizes = [1, 128], strides = [1, 1]} : vector<1x8192xf32> to vector<1x128xf32>
    %add3A_865 = vector.broadcast %add3A_18 : vector<256x1xf32> to vector<256x128xf32>
    %add3A_866 = vector.broadcast %slice3A_864 : vector<1x128xf32> to vector<256x128xf32>
    %add3A_867 = arith.addf %add3A_865, %add3A_866 : vector<256x128xf32>
    %slice3A_868 = vector.extract_strided_slice %dot_general3A_754 {offsets = [0, 1024], sizes = [256, 128], strides = [1, 1]} : vector<256x2048xf32> to vector<256x128xf32>
    %mul3A_869 = arith.constant 2.000000e+00 : f32
    %mul3A_870 = vector.broadcast %mul3A_869 : f32 to vector<256x128xf32>
    %mul3A_871 = arith.mulf %mul3A_870, %slice3A_868 : vector<256x128xf32>
    %sub3A_872 = arith.subf %add3A_867, %mul3A_871 : vector<256x128xf32>
    %lt3A_873 = arith.cmpf olt, %sub3A_872, %select_n3A_860 : vector<256x128xf32>
    %select_n3A_874 = arith.select %lt3A_873, %sub3A_872, %select_n3A_860 : vector<256x128xi1>, vector<256x128xf32>
    %jit3A_875 = arith.constant 8 : i32
    %broadcast_in_dim3A_876 = vector.broadcast %jit3A_875 : i32 to vector<256x128xi32>
    %select_n3A_877 = arith.select %lt3A_873, %broadcast_in_dim3A_876, %select_n3A_863 : vector<256x128xi1>, vector<256x128xi32>
    %slice3A_878 = vector.extract_strided_slice %get3A_21 {offsets = [0, 7296], sizes = [1, 128], strides = [1, 1]} : vector<1x8192xf32> to vector<1x128xf32>
    %add3A_879 = vector.broadcast %add3A_18 : vector<256x1xf32> to vector<256x128xf32>
    %add3A_880 = vector.broadcast %slice3A_878 : vector<1x128xf32> to vector<256x128xf32>
    %add3A_881 = arith.addf %add3A_879, %add3A_880 : vector<256x128xf32>
    %slice3A_882 = vector.extract_strided_slice %dot_general3A_754 {offsets = [0, 1152], sizes = [256, 128], strides = [1, 1]} : vector<256x2048xf32> to vector<256x128xf32>
    %mul3A_883 = arith.constant 2.000000e+00 : f32
    %mul3A_884 = vector.broadcast %mul3A_883 : f32 to vector<256x128xf32>
    %mul3A_885 = arith.mulf %mul3A_884, %slice3A_882 : vector<256x128xf32>
    %sub3A_886 = arith.subf %add3A_881, %mul3A_885 : vector<256x128xf32>
    %lt3A_887 = arith.cmpf olt, %sub3A_886, %select_n3A_874 : vector<256x128xf32>
    %select_n3A_888 = arith.select %lt3A_887, %sub3A_886, %select_n3A_874 : vector<256x128xi1>, vector<256x128xf32>
    %jit3A_889 = arith.constant 9 : i32
    %broadcast_in_dim3A_890 = vector.broadcast %jit3A_889 : i32 to vector<256x128xi32>
    %select_n3A_891 = arith.select %lt3A_887, %broadcast_in_dim3A_890, %select_n3A_877 : vector<256x128xi1>, vector<256x128xi32>
    %slice3A_892 = vector.extract_strided_slice %get3A_21 {offsets = [0, 7424], sizes = [1, 128], strides = [1, 1]} : vector<1x8192xf32> to vector<1x128xf32>
    %add3A_893 = vector.broadcast %add3A_18 : vector<256x1xf32> to vector<256x128xf32>
    %add3A_894 = vector.broadcast %slice3A_892 : vector<1x128xf32> to vector<256x128xf32>
    %add3A_895 = arith.addf %add3A_893, %add3A_894 : vector<256x128xf32>
    %slice3A_896 = vector.extract_strided_slice %dot_general3A_754 {offsets = [0, 1280], sizes = [256, 128], strides = [1, 1]} : vector<256x2048xf32> to vector<256x128xf32>
    %mul3A_897 = arith.constant 2.000000e+00 : f32
    %mul3A_898 = vector.broadcast %mul3A_897 : f32 to vector<256x128xf32>
    %mul3A_899 = arith.mulf %mul3A_898, %slice3A_896 : vector<256x128xf32>
    %sub3A_900 = arith.subf %add3A_895, %mul3A_899 : vector<256x128xf32>
    %lt3A_901 = arith.cmpf olt, %sub3A_900, %select_n3A_888 : vector<256x128xf32>
    %select_n3A_902 = arith.select %lt3A_901, %sub3A_900, %select_n3A_888 : vector<256x128xi1>, vector<256x128xf32>
    %jit3A_903 = arith.constant 10 : i32
    %broadcast_in_dim3A_904 = vector.broadcast %jit3A_903 : i32 to vector<256x128xi32>
    %select_n3A_905 = arith.select %lt3A_901, %broadcast_in_dim3A_904, %select_n3A_891 : vector<256x128xi1>, vector<256x128xi32>
    %slice3A_906 = vector.extract_strided_slice %get3A_21 {offsets = [0, 7552], sizes = [1, 128], strides = [1, 1]} : vector<1x8192xf32> to vector<1x128xf32>
    %add3A_907 = vector.broadcast %add3A_18 : vector<256x1xf32> to vector<256x128xf32>
    %add3A_908 = vector.broadcast %slice3A_906 : vector<1x128xf32> to vector<256x128xf32>
    %add3A_909 = arith.addf %add3A_907, %add3A_908 : vector<256x128xf32>
    %slice3A_910 = vector.extract_strided_slice %dot_general3A_754 {offsets = [0, 1408], sizes = [256, 128], strides = [1, 1]} : vector<256x2048xf32> to vector<256x128xf32>
    %mul3A_911 = arith.constant 2.000000e+00 : f32
    %mul3A_912 = vector.broadcast %mul3A_911 : f32 to vector<256x128xf32>
    %mul3A_913 = arith.mulf %mul3A_912, %slice3A_910 : vector<256x128xf32>
    %sub3A_914 = arith.subf %add3A_909, %mul3A_913 : vector<256x128xf32>
    %lt3A_915 = arith.cmpf olt, %sub3A_914, %select_n3A_902 : vector<256x128xf32>
    %select_n3A_916 = arith.select %lt3A_915, %sub3A_914, %select_n3A_902 : vector<256x128xi1>, vector<256x128xf32>
    %jit3A_917 = arith.constant 11 : i32
    %broadcast_in_dim3A_918 = vector.broadcast %jit3A_917 : i32 to vector<256x128xi32>
    %select_n3A_919 = arith.select %lt3A_915, %broadcast_in_dim3A_918, %select_n3A_905 : vector<256x128xi1>, vector<256x128xi32>
    %slice3A_920 = vector.extract_strided_slice %get3A_21 {offsets = [0, 7680], sizes = [1, 128], strides = [1, 1]} : vector<1x8192xf32> to vector<1x128xf32>
    %add3A_921 = vector.broadcast %add3A_18 : vector<256x1xf32> to vector<256x128xf32>
    %add3A_922 = vector.broadcast %slice3A_920 : vector<1x128xf32> to vector<256x128xf32>
    %add3A_923 = arith.addf %add3A_921, %add3A_922 : vector<256x128xf32>
    %slice3A_924 = vector.extract_strided_slice %dot_general3A_754 {offsets = [0, 1536], sizes = [256, 128], strides = [1, 1]} : vector<256x2048xf32> to vector<256x128xf32>
    %mul3A_925 = arith.constant 2.000000e+00 : f32
    %mul3A_926 = vector.broadcast %mul3A_925 : f32 to vector<256x128xf32>
    %mul3A_927 = arith.mulf %mul3A_926, %slice3A_924 : vector<256x128xf32>
    %sub3A_928 = arith.subf %add3A_923, %mul3A_927 : vector<256x128xf32>
    %lt3A_929 = arith.cmpf olt, %sub3A_928, %select_n3A_916 : vector<256x128xf32>
    %select_n3A_930 = arith.select %lt3A_929, %sub3A_928, %select_n3A_916 : vector<256x128xi1>, vector<256x128xf32>
    %jit3A_931 = arith.constant 12 : i32
    %broadcast_in_dim3A_932 = vector.broadcast %jit3A_931 : i32 to vector<256x128xi32>
    %select_n3A_933 = arith.select %lt3A_929, %broadcast_in_dim3A_932, %select_n3A_919 : vector<256x128xi1>, vector<256x128xi32>
    %slice3A_934 = vector.extract_strided_slice %get3A_21 {offsets = [0, 7808], sizes = [1, 128], strides = [1, 1]} : vector<1x8192xf32> to vector<1x128xf32>
    %add3A_935 = vector.broadcast %add3A_18 : vector<256x1xf32> to vector<256x128xf32>
    %add3A_936 = vector.broadcast %slice3A_934 : vector<1x128xf32> to vector<256x128xf32>
    %add3A_937 = arith.addf %add3A_935, %add3A_936 : vector<256x128xf32>
    %slice3A_938 = vector.extract_strided_slice %dot_general3A_754 {offsets = [0, 1664], sizes = [256, 128], strides = [1, 1]} : vector<256x2048xf32> to vector<256x128xf32>
    %mul3A_939 = arith.constant 2.000000e+00 : f32
    %mul3A_940 = vector.broadcast %mul3A_939 : f32 to vector<256x128xf32>
    %mul3A_941 = arith.mulf %mul3A_940, %slice3A_938 : vector<256x128xf32>
    %sub3A_942 = arith.subf %add3A_937, %mul3A_941 : vector<256x128xf32>
    %lt3A_943 = arith.cmpf olt, %sub3A_942, %select_n3A_930 : vector<256x128xf32>
    %select_n3A_944 = arith.select %lt3A_943, %sub3A_942, %select_n3A_930 : vector<256x128xi1>, vector<256x128xf32>
    %jit3A_945 = arith.constant 13 : i32
    %broadcast_in_dim3A_946 = vector.broadcast %jit3A_945 : i32 to vector<256x128xi32>
    %select_n3A_947 = arith.select %lt3A_943, %broadcast_in_dim3A_946, %select_n3A_933 : vector<256x128xi1>, vector<256x128xi32>
    %slice3A_948 = vector.extract_strided_slice %get3A_21 {offsets = [0, 7936], sizes = [1, 128], strides = [1, 1]} : vector<1x8192xf32> to vector<1x128xf32>
    %add3A_949 = vector.broadcast %add3A_18 : vector<256x1xf32> to vector<256x128xf32>
    %add3A_950 = vector.broadcast %slice3A_948 : vector<1x128xf32> to vector<256x128xf32>
    %add3A_951 = arith.addf %add3A_949, %add3A_950 : vector<256x128xf32>
    %slice3A_952 = vector.extract_strided_slice %dot_general3A_754 {offsets = [0, 1792], sizes = [256, 128], strides = [1, 1]} : vector<256x2048xf32> to vector<256x128xf32>
    %mul3A_953 = arith.constant 2.000000e+00 : f32
    %mul3A_954 = vector.broadcast %mul3A_953 : f32 to vector<256x128xf32>
    %mul3A_955 = arith.mulf %mul3A_954, %slice3A_952 : vector<256x128xf32>
    %sub3A_956 = arith.subf %add3A_951, %mul3A_955 : vector<256x128xf32>
    %lt3A_957 = arith.cmpf olt, %sub3A_956, %select_n3A_944 : vector<256x128xf32>
    %select_n3A_958 = arith.select %lt3A_957, %sub3A_956, %select_n3A_944 : vector<256x128xi1>, vector<256x128xf32>
    %jit3A_959 = arith.constant 14 : i32
    %broadcast_in_dim3A_960 = vector.broadcast %jit3A_959 : i32 to vector<256x128xi32>
    %select_n3A_961 = arith.select %lt3A_957, %broadcast_in_dim3A_960, %select_n3A_947 : vector<256x128xi1>, vector<256x128xi32>
    %slice3A_962 = vector.extract_strided_slice %get3A_21 {offsets = [0, 8064], sizes = [1, 128], strides = [1, 1]} : vector<1x8192xf32> to vector<1x128xf32>
    %add3A_963 = vector.broadcast %add3A_18 : vector<256x1xf32> to vector<256x128xf32>
    %add3A_964 = vector.broadcast %slice3A_962 : vector<1x128xf32> to vector<256x128xf32>
    %add3A_965 = arith.addf %add3A_963, %add3A_964 : vector<256x128xf32>
    %slice3A_966 = vector.extract_strided_slice %dot_general3A_754 {offsets = [0, 1920], sizes = [256, 128], strides = [1, 1]} : vector<256x2048xf32> to vector<256x128xf32>
    %mul3A_967 = arith.constant 2.000000e+00 : f32
    %mul3A_968 = vector.broadcast %mul3A_967 : f32 to vector<256x128xf32>
    %mul3A_969 = arith.mulf %mul3A_968, %slice3A_966 : vector<256x128xf32>
    %sub3A_970 = arith.subf %add3A_965, %mul3A_969 : vector<256x128xf32>
    %lt3A_971 = arith.cmpf olt, %sub3A_970, %select_n3A_958 : vector<256x128xf32>
    %select_n3A_972 = arith.select %lt3A_971, %sub3A_970, %select_n3A_958 : vector<256x128xi1>, vector<256x128xf32>
    %jit3A_973 = arith.constant 15 : i32
    %broadcast_in_dim3A_974 = vector.broadcast %jit3A_973 : i32 to vector<256x128xi32>
    %select_n3A_975 = arith.select %lt3A_971, %broadcast_in_dim3A_974, %select_n3A_961 : vector<256x128xi1>, vector<256x128xi32>
    %reduce_min3A_976 = arith.constant dense<0x7F800000> : vector<256xf32>
    %reduce_min3A_977 = vector.multi_reduction <minimumf>, %select_n3A_972, %reduce_min3A_976 [1] : vector<256x128xf32> to vector<256xf32>
    %broadcast_in_dim3A_978 = vector.shape_cast %reduce_min3A_977 : vector<256xf32> to vector<256x1xf32>
    %mul3A_979 = arith.constant 128 : i32
    %mul3A_980 = vector.broadcast %mul3A_979 : i32 to vector<256x128xi32>
    %mul3A_981 = arith.muli %select_n3A_975, %mul3A_980 : vector<256x128xi32>
    %add3A_982 = arith.addi %mul3A_981, %iota3A : vector<256x128xi32>
    %eq3A_983 = vector.broadcast %broadcast_in_dim3A_978 : vector<256x1xf32> to vector<256x128xf32>
    %eq3A_984 = arith.cmpf oeq, %select_n3A_972, %eq3A_983 : vector<256x128xf32>
    %jit3A_985 = arith.constant 8192 : i32
    %broadcast_in_dim3A_986 = vector.broadcast %jit3A_985 : i32 to vector<256x128xi32>
    %select_n3A_987 = arith.select %eq3A_984, %add3A_982, %broadcast_in_dim3A_986 : vector<256x128xi1>, vector<256x128xi32>
    %reduce_min3A_988 = arith.constant dense<2147483647> : vector<256xi32>
    %reduce_min3A_989 = vector.multi_reduction <minsi>, %select_n3A_987, %reduce_min3A_988 [1] : vector<256x128xi32> to vector<256xi32>
    %broadcast_in_dim3A_990 = vector.shape_cast %reduce_min3A_989 : vector<256xi32> to vector<256x1xi32>
    %add3A_991 = arith.constant 6144 : i32
    %add3A_992 = vector.broadcast %add3A_991 : i32 to vector<256x1xi32>
    %add3A_993 = arith.addi %broadcast_in_dim3A_990, %add3A_992 : vector<256x1xi32>
    %lt3A_994 = arith.cmpf olt, %broadcast_in_dim3A_978, %select_n3A_750 : vector<256x1xf32>
    %select_n3A_995 = arith.select %lt3A_994, %add3A_993, %select_n3A_751 : vector<256x1xi1>, vector<256x1xi32>
    %broadcast_in_dim3A_996 = vector.shape_cast %select_n3A_995 : vector<256x1xi32> to vector<1x256x1xi32>
    %swap3A = arith.constant 0 : index
    %swap3A_997 = arith.constant 0 : index
    %swap3A_998 = arith.constant 0 : index
    %swap3A_999 = vector.load %arg4[%swap3A, %swap3A_997, %swap3A_998] : memref<1x256x1xi32, #tpu.memory_space<vmem>>, vector<1x256x1xi32>
    tpu.vector_store %arg4[%swap3A, %swap3A_997, %swap3A_998], %broadcast_in_dim3A_996 {strides = array<i32>} : memref<1x256x1xi32, #tpu.memory_space<vmem>>, vector<1x256x1xi32>,
    return
  }
  func.func @transform_0(%arg0: i32) -> (i32, i32) {
    %c0_i32 = arith.constant 0 : i32
    %c0_i32_0 = arith.constant 0 : i32
    return %arg0, %c0_i32 : i32, i32
  }
  func.func @transform_1(%arg0: i32) -> (i32, i32) {
    %c0_i32 = arith.constant 0 : i32
    %c0_i32_0 = arith.constant 0 : i32
    %c0_i32_1 = arith.constant 0 : i32
    return %c0_i32, %c0_i32_0 : i32, i32
  }
  func.func @transform_2(%arg0: i32) -> (i32, i32) {
    %c0_i32 = arith.constant 0 : i32
    %c0_i32_0 = arith.constant 0 : i32
    %c0_i32_1 = arith.constant 0 : i32
    return %c0_i32, %c0_i32_0 : i32, i32
  }
  func.func @transform_3(%arg0: i32) -> (i32, i32, i32) {
    %c0_i32 = arith.constant 0 : i32
    %c0_i32_0 = arith.constant 0 : i32
    %c0_i32_1 = arith.constant 0 : i32
    return %arg0, %c0_i32, %c0_i32_0 : i32, i32, i32
  }
}

module attributes {stable_mosaic.version = 14 : i64} {
  func.func @_finish_kernel(%arg0: i32, %arg1: memref<1024x32xf32, #tpu.memory_space<vmem>>, %arg2: memref<1024x128xf32, #tpu.memory_space<vmem>>, %arg3: memref<1x1024x1xi32, #tpu.memory_space<vmem>>, %arg4: memref<1024x32xf32, #tpu.memory_space<vmem>>, %arg5: memref<1024x32xf32, #tpu.memory_space<vmem>>, %arg6: memref<1x1xf32, #tpu.memory_space<vmem>>) attributes {dimension_semantics = [#tpu.dimension_semantics<arbitrary>], iteration_bounds = array<i64: 8>, scalar_prefetch = 0 : i64, scratch_operands = 0 : i64, tpu.core_type = #tpu.core_type<tc>, window_params = [{transform_indices = @transform_0, window_bounds = array<i64: 1024, 32>}, {transform_indices = @transform_1, window_bounds = array<i64: 1024, 128>}, {transform_indices = @transform_2, window_bounds = array<i64: 1, 1024, 1>}, {transform_indices = @transform_3, window_bounds = array<i64: 1024, 32>}, {transform_indices = @transform_4, window_bounds = array<i64: 1024, 32>}, {pipeline_mode = #tpu.pipeline_mode<synchronous>, transform_indices = @transform_5, window_bounds = array<i64: 1, 1>}]} {
    %get3A = arith.constant 0 : index
    %get3A_0 = arith.constant 0 : index
    %get3A_1 = vector.load %arg1[%get3A, %get3A_0] : memref<1024x32xf32, #tpu.memory_space<vmem>>, vector<1024x32xf32>
    %get3A_2 = arith.constant 0 : index
    %get3A_3 = arith.constant 0 : index
    %get3A_4 = vector.load %arg2[%get3A_2, %get3A_3] : memref<1024x128xf32, #tpu.memory_space<vmem>>, vector<1024x128xf32>
    %get3A_5 = arith.constant 0 : index
    %get3A_6 = arith.constant 0 : index
    %get3A_7 = arith.constant 0 : index
    %get3A_8 = vector.load %arg3[%get3A_5, %get3A_6, %get3A_7] : memref<1x1024x1xi32, #tpu.memory_space<vmem>>, vector<1x1024x1xi32>
    %get3A_9 = vector.shape_cast %get3A_8 : vector<1x1024x1xi32> to vector<1024x1xi32>
    %and3A = arith.constant 3 : i32
    %and3A_10 = vector.broadcast %and3A : i32 to vector<1024x1xi32>
    %and3A_11 = arith.andi %get3A_9, %and3A_10 : vector<1024x1xi32>
    %eq3A = arith.constant 0 : i32
    %eq3A_12 = vector.broadcast %eq3A : i32 to vector<1024x1xi32>
    %eq3A_13 = arith.cmpi eq, %and3A_11, %eq3A_12 : vector<1024x1xi32>
    %slice3A = vector.extract_strided_slice %get3A_4 {offsets = [0, 0], sizes = [1024, 32], strides = [1, 1]} : vector<1024x128xf32> to vector<1024x32xf32>
    %jit3A = arith.constant 0.000000e+00 : f32
    %broadcast_in_dim3A = vector.shape_cast %eq3A_13 : vector<1024x1xi1> to vector<1024x1xi1>
    %broadcast_in_dim3A_14 = vector.broadcast %broadcast_in_dim3A : vector<1024x1xi1> to vector<1024x32xi1>
    %broadcast_in_dim3A_15 = vector.broadcast %jit3A : f32 to vector<1024x32xf32>
    %select_n3A = arith.select %broadcast_in_dim3A_14, %slice3A, %broadcast_in_dim3A_15 : vector<1024x32xi1>, vector<1024x32xf32>
    %eq3A_16 = arith.constant 1 : i32
    %eq3A_17 = vector.broadcast %eq3A_16 : i32 to vector<1024x1xi32>
    %eq3A_18 = arith.cmpi eq, %and3A_11, %eq3A_17 : vector<1024x1xi32>
    %slice3A_19 = vector.extract_strided_slice %get3A_4 {offsets = [0, 32], sizes = [1024, 32], strides = [1, 1]} : vector<1024x128xf32> to vector<1024x32xf32>
    %broadcast_in_dim3A_20 = vector.shape_cast %eq3A_18 : vector<1024x1xi1> to vector<1024x1xi1>
    %broadcast_in_dim3A_21 = vector.broadcast %broadcast_in_dim3A_20 : vector<1024x1xi1> to vector<1024x32xi1>
    %select_n3A_22 = arith.select %broadcast_in_dim3A_21, %slice3A_19, %select_n3A : vector<1024x32xi1>, vector<1024x32xf32>
    %eq3A_23 = arith.constant 2 : i32
    %eq3A_24 = vector.broadcast %eq3A_23 : i32 to vector<1024x1xi32>
    %eq3A_25 = arith.cmpi eq, %and3A_11, %eq3A_24 : vector<1024x1xi32>
    %slice3A_26 = vector.extract_strided_slice %get3A_4 {offsets = [0, 64], sizes = [1024, 32], strides = [1, 1]} : vector<1024x128xf32> to vector<1024x32xf32>
    %broadcast_in_dim3A_27 = vector.shape_cast %eq3A_25 : vector<1024x1xi1> to vector<1024x1xi1>
    %broadcast_in_dim3A_28 = vector.broadcast %broadcast_in_dim3A_27 : vector<1024x1xi1> to vector<1024x32xi1>
    %select_n3A_29 = arith.select %broadcast_in_dim3A_28, %slice3A_26, %select_n3A_22 : vector<1024x32xi1>, vector<1024x32xf32>
    %eq3A_30 = arith.constant 3 : i32
    %eq3A_31 = vector.broadcast %eq3A_30 : i32 to vector<1024x1xi32>
    %eq3A_32 = arith.cmpi eq, %and3A_11, %eq3A_31 : vector<1024x1xi32>
    %slice3A_33 = vector.extract_strided_slice %get3A_4 {offsets = [0, 96], sizes = [1024, 32], strides = [1, 1]} : vector<1024x128xf32> to vector<1024x32xf32>
    %broadcast_in_dim3A_34 = vector.shape_cast %eq3A_32 : vector<1024x1xi1> to vector<1024x1xi1>
    %broadcast_in_dim3A_35 = vector.broadcast %broadcast_in_dim3A_34 : vector<1024x1xi1> to vector<1024x32xi1>
    %select_n3A_36 = arith.select %broadcast_in_dim3A_35, %slice3A_33, %select_n3A_29 : vector<1024x32xi1>, vector<1024x32xf32>
    %sub3A = arith.subf %select_n3A_36, %get3A_1 : vector<1024x32xf32>
    %add3A = arith.addf %get3A_1, %sub3A : vector<1024x32xf32>
    %swap3A = arith.constant 0 : index
    %swap3A_37 = arith.constant 0 : index
    %swap3A_38 = vector.load %arg4[%swap3A, %swap3A_37] : memref<1024x32xf32, #tpu.memory_space<vmem>>, vector<1024x32xf32>
    tpu.vector_store %arg4[%swap3A, %swap3A_37], %add3A {strides = array<i32>} : memref<1024x32xf32, #tpu.memory_space<vmem>>, vector<1024x32xf32>,
    %swap3A_39 = arith.constant 0 : index
    %swap3A_40 = arith.constant 0 : index
    %swap3A_41 = vector.load %arg5[%swap3A_39, %swap3A_40] : memref<1024x32xf32, #tpu.memory_space<vmem>>, vector<1024x32xf32>
    tpu.vector_store %arg5[%swap3A_39, %swap3A_40], %select_n3A_36 {strides = array<i32>} : memref<1024x32xf32, #tpu.memory_space<vmem>>, vector<1024x32xf32>,
    %sub3A_42 = arith.subf %select_n3A_36, %get3A_1 : vector<1024x32xf32>
    %mul3A = arith.mulf %sub3A_42, %sub3A_42 : vector<1024x32xf32>
    %reduce_sum3A = vector.shape_cast %mul3A : vector<1024x32xf32> to vector<1x1024x32xf32>
    %reduce_sum3A_43 = arith.constant dense<0.000000e+00> : vector<1xf32>
    %reduce_sum3A_44 = vector.multi_reduction <add>, %reduce_sum3A, %reduce_sum3A_43 [1, 2] : vector<1x1024x32xf32> to vector<1xf32>
    %reduce_sum3A_45 = vector.shape_cast %reduce_sum3A_44 : vector<1xf32> to vector<1x1x1xf32>
    %reduce_sum3A_46 = vector.extract %reduce_sum3A_45[0, 0, 0] : f32 from vector<1x1x1xf32>
    %broadcast_in_dim3A_47 = vector.broadcast %reduce_sum3A_46 : f32 to vector<1x1xf32>
    %eq3A_48 = arith.constant 0 : i32
    %eq3A_49 = arith.cmpi eq, %arg0, %eq3A_48 : i32
    %convert_element_type3A = arith.extui %eq3A_49 : i1 to i32
    %cond3A = arith.constant 0 : i32
    %cond3A_50 = arith.cmpi ne, %convert_element_type3A, %cond3A : i32
    scf.if %cond3A_50 {
      %broadcast_in_dim3A_63 = arith.constant 0.000000e+00 : f32
      %broadcast_in_dim3A_64 = vector.broadcast %broadcast_in_dim3A_63 : f32 to vector<1x1xf32>
      %swap3A_65 = arith.constant 0 : index
      %swap3A_66 = arith.constant 0 : index
      %swap3A_67 = vector.load %arg6[%swap3A_65, %swap3A_66] : memref<1x1xf32, #tpu.memory_space<vmem>>, vector<1x1xf32>
      tpu.vector_store %arg6[%swap3A_65, %swap3A_66], %broadcast_in_dim3A_64 {strides = array<i32>} : memref<1x1xf32, #tpu.memory_space<vmem>>, vector<1x1xf32>,
    } else {
    }
    %get3A_51 = arith.constant 0 : index
    %get3A_52 = arith.constant 0 : index
    %get3A_53 = vector.load %arg6[%get3A_51, %get3A_52] : memref<1x1xf32, #tpu.memory_space<vmem>>, vector<1x1xf32>
    %add3A_54 = arith.addf %get3A_53, %broadcast_in_dim3A_47 : vector<1x1xf32>
    %swap3A_55 = arith.constant 0 : index
    %swap3A_56 = arith.constant 0 : index
    %swap3A_57 = vector.load %arg6[%swap3A_55, %swap3A_56] : memref<1x1xf32, #tpu.memory_space<vmem>>, vector<1x1xf32>
    tpu.vector_store %arg6[%swap3A_55, %swap3A_56], %add3A_54 {strides = array<i32>} : memref<1x1xf32, #tpu.memory_space<vmem>>, vector<1x1xf32>,
    %eq3A_58 = arith.constant 7 : i32
    %eq3A_59 = arith.cmpi eq, %arg0, %eq3A_58 : i32
    %convert_element_type3A_60 = arith.extui %eq3A_59 : i1 to i32
    %cond3A_61 = arith.constant 0 : i32
    %cond3A_62 = arith.cmpi ne, %convert_element_type3A_60, %cond3A_61 : i32
    scf.if %cond3A_62 {
      %get3A_63 = arith.constant 0 : index
      %get3A_64 = arith.constant 0 : index
      %get3A_65 = vector.load %arg6[%get3A_63, %get3A_64] : memref<1x1xf32, #tpu.memory_space<vmem>>, vector<1x1xf32>
      %mul3A_66 = arith.constant 8.000000e+00 : f32
      %mul3A_67 = arith.constant 1.024000e+03 : f32
      %mul3A_68 = arith.mulf %mul3A_66, %mul3A_67 : f32
      %mul3A_69 = arith.constant 3.200000e+01 : f32
      %mul3A_70 = arith.mulf %mul3A_68, %mul3A_69 : f32
      %div3A = vector.broadcast %mul3A_70 : f32 to vector<1x1xf32>
      %div3A_71 = arith.divf %get3A_65, %div3A : vector<1x1xf32>
      %swap3A_72 = arith.constant 0 : index
      %swap3A_73 = arith.constant 0 : index
      %swap3A_74 = vector.load %arg6[%swap3A_72, %swap3A_73] : memref<1x1xf32, #tpu.memory_space<vmem>>, vector<1x1xf32>
      tpu.vector_store %arg6[%swap3A_72, %swap3A_73], %div3A_71 {strides = array<i32>} : memref<1x1xf32, #tpu.memory_space<vmem>>, vector<1x1xf32>,
    } else {
    }
    return
  }
  func.func @transform_0(%arg0: i32) -> (i32, i32) {
    %c0_i32 = arith.constant 0 : i32
    %c0_i32_0 = arith.constant 0 : i32
    return %arg0, %c0_i32 : i32, i32
  }
  func.func @transform_1(%arg0: i32) -> (i32, i32) {
    %c0_i32 = arith.constant 0 : i32
    %c0_i32_0 = arith.constant 0 : i32
    return %arg0, %c0_i32 : i32, i32
  }
  func.func @transform_2(%arg0: i32) -> (i32, i32, i32) {
    %c0_i32 = arith.constant 0 : i32
    %c0_i32_0 = arith.constant 0 : i32
    %c0_i32_1 = arith.constant 0 : i32
    return %arg0, %c0_i32, %c0_i32_0 : i32, i32, i32
  }
  func.func @transform_3(%arg0: i32) -> (i32, i32) {
    %c0_i32 = arith.constant 0 : i32
    %c0_i32_0 = arith.constant 0 : i32
    return %arg0, %c0_i32 : i32, i32
  }
  func.func @transform_4(%arg0: i32) -> (i32, i32) {
    %c0_i32 = arith.constant 0 : i32
    %c0_i32_0 = arith.constant 0 : i32
    return %arg0, %c0_i32 : i32, i32
  }
  func.func @transform_5(%arg0: i32) -> (i32, i32) {
    %c0_i32 = arith.constant 0 : i32
    %c0_i32_0 = arith.constant 0 : i32
    %c0_i32_1 = arith.constant 0 : i32
    return %c0_i32, %c0_i32_0 : i32, i32
  }
}

</mosaic_0001>

<sc_bundles>
// kernel: kernel.6.cloned.1.call-start
scs
__scs_entry_jumppad:
0x0: {  	(pc) =	sbr.rel $0x88, $3  }
0x1: {  	(tag) =	ssettag $0x0;
	lr =	simm.s32 $0x1  }
0x2: {  	[smem:$0x3F9F] =	sst lr;
	_ =	strace $0xD0000000  }
0x3: {  	_ = 	snop  }
0x4: {  	_ = 	snop  }
0x5: {  	_ = 	snop  }
0x6: {  	_ = 	snop  }
0x7: {  	_ = 	snop  }
__scs_overlays_trampoline_lowered:
0x8: {  	[smem:$0x3FAE] =	sst s0  }
0x9: {  	[smem:$0x3FAF] =	sst s1  }
0xa: {  	[smem:$0x3FB0] =	sst s2  }
0xb: {  	[smem:$0x3FB1] =	sst s3  }
0xc: {  	[smem:$0x3FB2] =	sst s4  }
0xd: {  	[smem:$0x3FB3] =	sst s5  }
0xe: {  	[smem:$0x3FB4] =	sst s6  }
0xf: {  	[smem:$0x3FB5] =	sst s7  }
0x10: {  	[smem:$0x3FB6] =	sst s8  }
0x11: {  	[smem:$0x3FB7] =	sst s9;
	s0 =	simm.s32 @!p0 $0x0  }
0x12: {  	s1 =	sld [smem:$0x3F9D];
	s0 =	simm.s32 @p0 $0x1  }
0x13: {  	[smem:$0x3FB8] =	sst s0;
	s0 =	simm.s32 @!p1 $0x0  }
0x14: {  	s2 =	sld [smem:$0x3F9C];
	s0 =	simm.s32 @p1 $0x1  }
0x15: {  	[smem:$0x3FB9] =	sst s0;
	s0 =	simm.s32 @!p2 $0x0  }
0x16: {  	s3 =	sld [smem:$0x3FDB];
	s0 =	simm.s32 @p2 $0x1  }
0x17: {  	s4 =	simm.s32 $0x1BF5;
	[smem:$0x3FBB] =	sst s0  }
0x18: {  	s0 =	sld [smem:$0x3F9E];
	_ =	swait.ge [sflag:s4], $0x0  }
0x19: {  	s7 =	sld [smem:$0x3F9F]  }
0x1a: {  	s8 =	sadd.s32 $0xFFFFE003, lr  }
0x1b: {  	s9 =	sadd.s32 $0xFFFFFEF7, lr;
	s5 =	simm.s32 $0xFFFFFFFF;
	p2 =	slt.u32 s8, $0xFFFFF086  }
0x1c: {  	p1 =	slt.u32 s9, $0xF7A;
	s5 =	simm.s32 @!p2 $0x0  }
0x1d: {  	s5 =	simm.s32 @p1 $0x1;
	p0 =	seq.s32 s7, s2  }
0x1e: {  	s7 =	smul.u32 @!p0 $0xF7A, s2;
	p2 =	seq.s32 @!p0 s5, $0x0  }
0x1f: {  	s9 =	smul.u32 $0xF7A, s1;
	s8 =	simm.s32 @!p0 $0x1BF5;
	p2 =	por !p2, p0  }
0x20: {  	[sflag:s8] =	ssyncset.s32 @!p0 $0xFFFFF086;
	s6 =	sadd.s32 @!p0 s3, s7;
	s7 =	simm.s32 @!p0 $0x108  }
0x21: {  	s3 =	sadd.s32 s3, s9;
	s6 =	sadd.s32 @!p0 $0x88, s6;
	s7 =	simm.s32 @p2 $0x1082  }
0x22: {  	[simem:s7], [sflag:s8] =	dma.local @!p0 [hbm:s6], $0xF7A  }
0x23: {  	s9 =	sor.u32 $0xD0000000, s2;
	s6 =	simm.s32 $0x108;
	_ =	swait.ge @!p0 [sflag:s8], $0x0  }
0x24: {  	s3 =	sadd.s32 $0x88, s3;
	s6 =	simm.s32 @!p1 $0x1082;
	[sflag:s4] =	ssyncset.s32 $0xFFFFF086  }
0x25: {  	[simem:s6], [sflag:s4] =	dma.local [hbm:s3], $0xF7A  }
0x26: {  	[smem:$0x3F9F] =	sst s1;
	(tag) =	ssettag s2;
	_ =	strace s9  }
0x27: {  	s1 =	sld [smem:$0x3FAF]  }
0x28: {  	s2 =	sld [smem:$0x3FB0]  }
0x29: {  	s4 =	sld [smem:$0x3FB2]  }
0x2a: {  	p0 =	seq.s32 s5, $0x0;
	s5 =	sld [smem:$0x3FB3]  }
0x2b: {  	s6 =	sld [smem:$0x3FB4]  }
0x2c: {  	s7 =	sld [smem:$0x3FB5]  }
0x2d: {  	s3 =	simm.s32 $0x108;
	s8 =	sld [smem:$0x3FB6]  }
0x2e: {  	s3 =	simm.s32 @!p0 $0x1082;
	s9 =	sld [smem:$0x3FB7]  }
0x2f: {  	lr =	sadd.s32 s0, s3;
	s0 =	sld [smem:$0x3FAE]  }
0x30: {  	s3 =	sld [smem:$0x3FB1]  }
0x31: {  	[smem:$0x3FBA] =	sst s10  }
0x32: {  	s10 =	sld [smem:$0x3FB8];
	_ =	sdelay $0x3  }
0x33: {  	p0 =	seq.s32 s10, $0x1;
	s10 =	sld [smem:$0x3FBA];
	_ =	sdelay $0x3  }
0x34: {  	[smem:$0x3FBA] =	sst s10  }
0x35: {  	s10 =	sld [smem:$0x3FB9];
	_ =	sdelay $0x3  }
0x36: {  	p1 =	seq.s32 s10, $0x1;
	s10 =	sld [smem:$0x3FBA];
	_ =	sdelay $0x3  }
0x37: {  	[smem:$0x3FBA] =	sst s10  }
0x38: {  	s10 =	sld [smem:$0x3FBB]  }
0x39: {  	_ = 	snop;
	(pc) =	sbr.ind lr, $3  }
0x3a: {  	_ = 	snop  }
0x3b: {  	_ = 	snop  }
0x3c: {  	p2 =	seq.s32 s10, $0x1;
	s10 =	sld [smem:$0x3FBA]  }
0x3d: {  	_ =	shalt  }
0x3e: {  	_ =	shalt  }
0x3f: {  	_ =	shalt  }
0x40: {  	_ =	shalt  }
0x41: {  	_ =	shalt  }
0x42: {  	_ =	shalt  }
0x43: {  	_ =	shalt  }
0x44: {  	_ =	shalt  }
0x45: {  	_ =	shalt  }
0x46: {  	_ =	shalt  }
0x47: {  	_ =	shalt  }
0x48: {  	_ =	shalt  }
0x49: {  	_ =	shalt  }
0x4a: {  	_ =	shalt  }
0x4b: {  	_ =	shalt  }
0x4c: {  	_ =	shalt  }
0x4d: {  	_ =	shalt  }
0x4e: {  	_ =	shalt  }
0x4f: {  	_ =	shalt  }
0x50: {  	_ =	shalt  }
0x51: {  	_ =	shalt  }
0x52: {  	_ =	shalt  }
0x53: {  	_ =	shalt  }
0x54: {  	_ =	shalt  }
0x55: {  	_ =	shalt  }
0x56: {  	_ =	shalt  }
0x57: {  	_ =	shalt  }
0x58: {  	_ =	shalt  }
0x59: {  	_ =	shalt  }
0x5a: {  	_ =	shalt  }
0x5b: {  	_ =	shalt  }
0x5c: {  	_ =	shalt  }
0x5d: {  	_ =	shalt  }
0x5e: {  	_ =	shalt  }
0x5f: {  	_ =	shalt  }
0x60: {  	_ =	shalt  }
0x61: {  	_ =	shalt  }
0x62: {  	_ =	shalt  }
0x63: {  	_ =	shalt  }
0x64: {  	_ =	shalt  }
0x65: {  	_ =	shalt  }
0x66: {  	_ =	shalt  }
0x67: {  	_ =	shalt  }
0x68: {  	_ =	shalt  }
0x69: {  	_ =	shalt  }
0x6a: {  	_ =	shalt  }
0x6b: {  	_ =	shalt  }
0x6c: {  	_ =	shalt  }
0x6d: {  	_ =	shalt  }
0x6e: {  	_ =	shalt  }
0x6f: {  	_ =	shalt  }
0x70: {  	_ =	shalt  }
0x71: {  	_ =	shalt  }
0x72: {  	_ =	shalt  }
0x73: {  	_ =	shalt  }
0x74: {  	_ =	shalt  }
0x75: {  	_ =	shalt  }
0x76: {  	_ =	shalt  }
0x77: {  	_ =	shalt  }
0x78: {  	_ =	shalt  }
0x79: {  	_ =	shalt  }
0x7a: {  	_ =	shalt  }
0x7b: {  	_ =	shalt  }
0x7c: {  	_ =	shalt  }
0x7d: {  	_ =	shalt  }
0x7e: {  	_ =	shalt  }
0x7f: {  	_ =	shalt  }
0x80: {  	_ =	shalt  }
0x81: {  	_ =	shalt  }
0x82: {  	_ =	shalt  }
0x83: {  	_ =	shalt  }
0x84: {  	_ =	shalt  }
0x85: {  	_ =	shalt  }
0x86: {  	_ =	shalt  }
0x87: {  	_ =	shalt  }
.Lfunc_end0:
.L_simem_size_0:
called_computation_lowered:
.L_overlay_start_0:
0x88: {  	s2 =	sld [smem:$0x3FD9]  }
0x89: {  	s3 =	sld [smem:$0x3FFE];
	_ =	sdelay $0x1  }
0x8a: {  	s1 =	srdreg.scid  }
0x8b: {  	s0 =	sand.u32 $0x1, s1  }
0x8c: {  	s14 =	sshll.u32 s0, $0xA;
	s2 =	sadd.s32 s3, s2  }
0x8d: {  	s2 =	sadd.s32 s2, s14  }
0x8e: {  	[smem:$0x3FC6] =	sst s2  }
0x8f: {  	_ = 	snop  }
0x90: {  	s2 =	sld [smem:$0x3FD0];
	_ =	sdelay $0x2  }
0x91: {  	s15 =	simm.s32 $0xA;
	s4 =	simm.s32 $0x10  }
0x92: {  	[smem:s4], [sflag:s15] =	dma.local [hbm:s2], $0x1  }
0x93: {  	_ =	swait.eq [sflag:s15], $0x1  }
0x94: {  	[sflag:s15] =	ssyncset.done $0x0  }
0x95: {  	s16 =	sld [smem:$0x10];
	[sflag:s15] =	ssyncadd.s32 $0xFFFFFFFF  }
0x96: {  	s17 =	sld [smem:$0x11];
	(tm) =	ssettm $0x1  }
0x97: {  	s18 =	sld [smem:$0x3FFB];
	_ =	sdelay $0x3  }
0x98: {  	_ =	strace s18  }
0x99: {  	s4 =	sld [smem:$0x3FFC];
	_ =	sdelay $0x3  }
0x9a: {  	_ =	strace s4  }
0x9b: {  	s4 =	sld [smem:$0x3FFD];
	_ =	sdelay $0x3  }
0x9c: {  	_ =	strace s4  }
0x9d: {  	_ =	strace $0x8FFFFFFF  }
0x9e: {  	s19 =	sld [smem:$0x3FDB];
	_ =	sdelay $0x1  }
0x9f: {  	s5 =	simm.s32 $_scs_section_size  }
0xa0: {  	s6 =	simm.s32 $_size__tile_overlayer_lowered;
	s7 =	simm.s32 $_tile_overlayer_lowered  }
0xa1: {  	s22 =	simm.s32 $0x1BFF;
	s21 =	sshll.u32 s7, $0x1;
	s4 =	sadd.s32 s5, s19  }
0xa2: {  	s8 =	simm.s32 $0x0;
	s20 =	sshll.u32 s6, $0x1;
	s6 =	sadd.s32 s21, s4  }
0xa3: {  	[timem:s8], [sflag:s22] =	dma.local [hbm:s6], s20  }
0xa4: {  	_ =	swait.ge [sflag:s22], s20  }
0xa5: {  	s5 =	ssub.s32 $0x0, s20;
	[sflag:s22] =	ssyncset.done $0x0  }
0xa6: {  	[sflag:s22] =	ssyncadd.s32 s5;
	_ =	sdelay $0x1  }
0xa7: {  	s23 =	simm.s32 $0x1B8B  }
0xa8: {  	_ =	swait.ge [sflag:s23], $0x1  }
0xa9: {  	[sflag:s23] =	ssyncset.done $0x0  }
0xaa: {  	s25 =	simm.s32 $0x1B8E;
	s24 =	sld [smem:$0x3FFE];
	[sflag:s23] =	ssyncadd.s32 $0xFFFFFFFF  }
0xab: {  	s26 =	simm.s32 $execute0_lowered;
	[smem:$0x3FD2] =	sst s25  }
0xac: {  	s6 =	sshll.u32 s26, $0x1;
	_ =	strace $0x80000046;
	[dreg:$0x1] =	wrdreg $0xFFFFFFFF  }
0xad: {  	s28 =	simm.s32 $_size_execute0_lowered;
	s4 =	sadd.s32 s4, s6;
	[dreg:$0x0] =	wrdreg $0x0  }
0xae: {  	s6 =	sshll.u32 s28, $0x1;
	[dreg:$0x2] =	wrdreg s4  }
0xaf: {  	[dreg:$0x3] =	wrdreg s6  }
0xb0: {  	[dreg:$0x4] =	wrdreg $0xC0  }
0xb1: {  	_ =	task [dreg:s8], $0x5FFFF  }
0xb2: {  	[dreg:$0x1] =	wrdreg $0xFFFFFFFF  }
0xb3: {  	[dreg:$0x0] =	wrdreg $0x60  }
0xb4: {  	[dreg:$0x2] =	wrdreg s17  }
0xb5: {  	[dreg:$0x3] =	wrdreg s16  }
0xb6: {  	[dreg:$0x4] =	wrdreg s24  }
0xb7: {  	[dreg:$0x5] =	wrdreg $0x9  }
0xb8: {  	_ =	task.clear_ibuf [dreg:s8], $0x6FFFF;
	_ =	strace $0x90000046  }
0xb9: {  	s29 =	simm.s32 $0x9;
	_ =	strace $0x80000048  }
0xba: {  	_ =	swait.ge [sflag:s29], $0x1  }
0xbb: {  	[sflag:s29] =	ssyncadd.s32 $0xFFFFFFFF  }
0xbc: {  	_ =	strace $0x90000048  }
0xbd: {  	_ =	sfence  }
0xbe: {  	s30 =	sld [smem:$0x0];
	_ =	sdelay $0x2  }
0xbf: {  	s31 =	sshll.u32 s1, $0xD;
	s1 =	sshrl.u32 s1, $0x2  }
0xc0: {  	s3 =	sand.u32 $0x4000, s31;
	s1 =	sadd.s32 s1, s30  }
0xc1: {  	s0 =	sor.u32 s3, s0;
	s1 =	sshll.u32 s1, $0x11  }
0xc2: {  	s0 =	sor.u32 s1, s0  }
0xc3: {  	s0 =	sadd.s32 $0x8F2B, s0  }
0xc4: {  	[sflag:s0] =	ssyncadd.remote.s32 $0x1  }
0xc5: {  	_ =	sfence.sel $0xFFFF  }
0xc6: {  	[dreg:$0x0] =	wrdreg $0xFFFFFFFF;
	(pc) =	sbr.abs _section_cstart, $3  }
0xc7: {  	[dreg:$0x1] =	wrdreg $0xFFFFFFFF  }
0xc8: {  	_ =	task.clear_ibuf [dreg:s8], $0x2FFFF;
	_ =	strace $0x9FFFFFFF  }
0xc9: {  	(tm) =	ssettm $0x7FFFFFFF  }
tec
execute0_lowered:
.L_overlay_start_1:
0x0: {  	(tag) =	ssettag $0x1  }
0x1: {  	s1 =	rddreg [dreg:$0x0];
	s2 =	srdreg.scid  }
0x2: {  	s4 =	rddreg [dreg:$0x1];
	s0 =	stileid.u32  }
0x3: {  	s8 =	rddreg [dreg:$0x2];
	s3 =	simm.s32 $0x0;
	s6 =	sand.u32 $0x1, s2  }
0x4: {  	s5 =	sshll.u32 s0, $0x9;
	s2 =	rddreg [dreg:$0x3];
	s7 =	sshll.u32 s6, $0x8  }
0x5: {  	[smem:$0x7FF] =	sst s3;
	s9 =	sor.u32 s7, s5  }
0x6: {  	_ =	strace $0x80000047;
	s10 =	ssub.s32 $0x2, s6;
	s5 =	sshrl.u32 s9, $0x3  }
0x7: {  	s6 =	simm.s32 $0x100;
	s5 =	sadd.s32 s4, s5;
	s4 =	simm.s32 $0x2  }
0x8: {  	[tilespmem:s3], [sflag:$0x2] =	stream.linear.gather [hbm4b:s5+s3], $0x100, $0x38;
	[tilespmem:$0x8100] =	vst v63  }
0x9: {  	s7 =	simm.s32 $0x1;
	s11 =	sshrl.u32 s10, $0x1;
	_ =	swait.ge [sflag:s4], $0x100  }
0xa: {  	s9 =	sshll.u32 s9, $0x4;
	s31 =	ssub.s32 s10, s11;
	[sflag:s4] =	ssyncset.done $0x0  }
0xb: {  	s8 =	sadd.s32 s9, s8;
	s9 =	smax.u32 s31, $0x1;
	[sflag:s4] =	ssyncadd.s32 $0xFFFFFF00  }
0xc: {  	[tilespmem:s6], [sflag:$0x1] =	stream.indirect.gather [hbm4b:s1+s6], $0x80, s3, s6, $0xb8;
	[tilespmem:$0x8100] =	vst v63  }
0xd: {  	p0 =	sne.s32 s9, $0x1;
	_ =	swait.ge [sflag:s7], $0x8000  }
.Ltmp0:
0xe: {  	[sflag:s7] =	ssyncset.done $0x0;
	(pc) =	sbr.rel @!p0 .LBB2_2-.Ltmp0, $4  }
0xf: {  	s8 =	sadd.s32 $0x400, s8;
	[sflag:s7] =	ssyncadd.s32 $0xFFFF8000  }
0x10: {  	[hbm4b:s8+s3] =	stream.linear.scatter [tilespmem:s6], [sflag:$0x2], $0x8000, $0x38;
	[tilespmem:$0x8100] =	vst v63  }
0x11: {  	_ =	swait.ge [sflag:s4], $0x8000  }
0x12: {  	s9 =	sadd.s32 $0xFFFFFFFF, s9;
	[sflag:s4] =	ssyncset.done $0x0  }
.LBB2_1:
0x13: {  	p0 =	sne.s32 s9, $0x1;
	s9 =	sadd.s32 $0xFFFFFFFF, s9;
	[sflag:s4] =	ssyncadd.s32 $0xFFFF8000  }
0x14: {  	[tilespmem:s3], [sflag:$0x2] =	stream.linear.gather [hbm4b:s5+s3], $0x100, $0x38;
	[tilespmem:$0x8100] =	vst v63  }
0x15: {  	_ =	swait.ge [sflag:s4], $0x100  }
0x16: {  	[sflag:s4] =	ssyncset.done $0x0  }
0x17: {  	[sflag:s4] =	ssyncadd.s32 $0xFFFFFF00  }
0x18: {  	[tilespmem:s6], [sflag:$0x1] =	stream.indirect.gather [hbm4b:s1+s6], $0x80, s3, s6, $0xb8;
	[tilespmem:$0x8100] =	vst v63  }
0x19: {  	_ =	swait.ge [sflag:s7], $0x8000  }
.Ltmp1:
0x1a: {  	[sflag:s7] =	ssyncset.done $0x0;
	(pc) =	sbr.rel @p0 .LBB2_1-.Ltmp1, $4  }
0x1b: {  	[sflag:s7] =	ssyncadd.s32 $0xFFFF8000  }
0x1c: {  	[hbm4b:s8+s3] =	stream.linear.scatter [tilespmem:s6], [sflag:$0x2], $0x8000, $0x38;
	[tilespmem:$0x8100] =	vst v63  }
0x1d: {  	_ =	swait.ge [sflag:s4], $0x8000  }
0x1e: {  	[sflag:s4] =	ssyncset.done $0x0  }
.LBB2_2:
0x1f: {  	[sflag:s4] =	ssyncadd.s32 $0xFFFF8000  }
0x20: {  	_ =	sfence.sel $0x180000  }
0x21: {  	[bflag:$0x0] =	sbarrier.arrive $0xFFFF  }
0x22: {  	p0 =	sne.s32 s0, $0x0;
	_ =	strace $0x90000047  }
0x23: {  	s0 =	sadd.s32 @!p0 $0x100000, s2;
	[bflag:$0x2] =	sbarrier.arrive $0xFFFF  }
0x24: {  	[sflag:s0] =	ssyncadd.tile.s32 @!p0 $0x1;
	_ =	shalt  }
.Lfunc_end2:
_tile_overlayer_lowered:
.L_overlay_start_2:
0x25: {  	(tag) =	ssettag $0x2  }
0x26: {  	s0 =	rddreg [dreg:$0x0];
	s2 =	stileid.u32  }
0x27: {  	s1 =	rddreg [dreg:$0x1];
	p0 =	sne.s32 s2, $0x0  }
0x28: {  	s3 =	rddreg [dreg:$0x2];
	[bflag:$0x3] =	sbarrier.arrive $0xFFFF;
	s2 =	simm.s32 @!p0 $0x1C02  }
0x29: {  	[timem:s3], [sflag:s2] =	dma.local @!p0 [hbm:s0], s1  }
0x2a: {  	s0 =	simm.s32 @!p0 $0x2  }
0x2b: {  	_ =	swait.ge @!p0 [sflag:s0], s1  }
0x2c: {  	s1 =	ssub.s32 @!p0 $0x0, s1;
	[sflag:s0] =	ssyncset.done @!p0 $0x0  }
0x2d: {  	[sflag:s0] =	ssyncadd.s32 @!p0 s1  }
0x2e: {  	[bflag:$0x3] =	sbarrier.arrive $0xFFFF  }
0x2f: {  	_ =	shalt  }

</sc_bundles>
